<compile_context>
chip_gen: v7x
topology: tpu7x:2x2x1
jax: 0.10.2.dev20260603
libtpu: 0.0.44.dev20260713+nightly
codegen_flags: <defaults>
</compile_context>

<pallas_src>
import functools

import jax
import jax.numpy as jnp
from jax import lax
from jax.experimental import pallas as pl
from jax.experimental.pallas import tpu as pltpu
from jax.experimental.pallas import tpu_sc as plsc

VOCAB = 1_000_000
EMB = 64
PADE = 128
NBUF = 2

_info = plsc.get_sparse_core_info()
NC, NS = _info.num_cores, _info.num_subcores
NW = NC * NS


def _build(n_seq: int, seq_len: int):
    seq_per_w = n_seq // NW
    c0 = (seq_len // 128) * 128
    c1 = seq_len - c0

    mesh = plsc.VectorSubcoreMesh(core_axis_name="c", subcore_axis_name="s")

    @functools.partial(
        pl.kernel,
        out_type=jax.ShapeDtypeStruct((n_seq, seq_len, PADE), jnp.float32),
        mesh=mesh,
        scratch_types=[
            pltpu.VMEM((seq_per_w, seq_len), jnp.int32),
            pltpu.VMEM((NBUF, seq_len, EMB), jnp.float32),
            [pltpu.SemaphoreType.DMA] * NBUF,
            [pltpu.SemaphoreType.DMA] * NBUF,
        ],
        compiler_params=pltpu.CompilerParams(use_tc_tiling_on_sc=False),
    )
    def emb(tok_hbm, table_hbm, out_hbm, idx_v, rows_v, gsems, wsems):
        wid = lax.axis_index("s") * NC + lax.axis_index("c")
        seq0 = wid * seq_per_w

        pltpu.sync_copy(tok_hbm.at[pl.ds(seq0, seq_per_w)], idx_v)

        def fire_gather(s_local, b):
            pltpu.async_copy(
                table_hbm.at[idx_v.at[s_local, pl.ds(0, c0)]],
                rows_v.at[b, pl.ds(0, c0)], gsems[b])
            pltpu.async_copy(
                table_hbm.at[idx_v.at[s_local, pl.ds(c0, c1)]],
                rows_v.at[b, pl.ds(c0, c1)], gsems[b])

        def wait_gather(s_local, b):
            pltpu.make_async_copy(
                table_hbm.at[idx_v.at[s_local, pl.ds(0, c0)]],
                rows_v.at[b, pl.ds(0, c0)], gsems[b]).wait()
            pltpu.make_async_copy(
                table_hbm.at[idx_v.at[s_local, pl.ds(c0, c1)]],
                rows_v.at[b, pl.ds(c0, c1)], gsems[b]).wait()

        def fire_wb(s_local, b):
            pltpu.async_copy(
                rows_v.at[b],
                out_hbm.at[seq0 + s_local, :, pl.ds(0, EMB)], wsems[b])

        def wait_wb(s_local, b):
            pltpu.make_async_copy(
                rows_v.at[b],
                out_hbm.at[seq0 + s_local, :, pl.ds(0, EMB)], wsems[b]).wait()

        for b in range(NBUF):
            fire_gather(b, b)

        def step(t, carry):
            for b in range(NBUF):
                s = NBUF + t * NBUF + b
                wait_gather(s - NBUF, b)
                fire_wb(s - NBUF, b)
                wait_wb(s - NBUF, b)
                fire_gather(s, b)
            return carry

        lax.fori_loop(0, (seq_per_w - NBUF) // NBUF, step, 0)

        for b in range(NBUF):
            s = seq_per_w - NBUF + b
            wait_gather(s, b)
            fire_wb(s, b)
        for b in range(NBUF):
            s = seq_per_w - NBUF + b
            wait_wb(s, b)

    return emb


def kernel(token, table):
    n_seq, seq_len = token.shape
    out = _build(n_seq, seq_len)(token.astype(jnp.int32), table)
    return out[:, :, :EMB]

# --- scband reference (transcript-rebuilt; emitter-appended) ---
"""Pipeline reference for scband-token-embedding-28063316312683 (READ-ONLY COPY).

The authoritative reference and input builder live on the scoring server;
editing this copy changes nothing except your own understanding.
"""

import jax, jax.numpy as jnp
import numpy as np

VOCAB_SIZE = 1000000
EMB_DIM = 64
PAD_IDX = 0

def setup_inputs(seed: int = 0) -> dict:
    key = jax.random.key(seed)
    k_tok, k_tab = jax.random.split(key)
    token = jax.random.randint(k_tok, (4096, 200), 0, VOCAB_SIZE, dtype=jnp.int64) if jax.config.jax_enable_x64 else jax.random.randint(k_tok, (4096, 200), 0, VOCAB_SIZE, dtype=jnp.int32)
    table = jax.random.normal(k_tab, (VOCAB_SIZE, EMB_DIM), dtype=jnp.float32)
    # nn.Embedding with padding_idx zeroes that row at init
    table = table.at[PAD_IDX].set(0.0)
    return {"token": token, "table": table}

def reference(token, table):
    # Faithful to nn.Embedding forward: plain row gather
    return jnp.take(table, token, axis=0)

if __name__ == "__main__":
    import jax
    _d = setup_inputs()
    print(jax.jit(kernel)(*tuple(_d.values())))

</pallas_src>

<mosaic_0001>
#map = affine_map<(d0, d1) -> (0, 0)>
#map1 = affine_map<(d0, d1) -> (0, 0, 0)>
module attributes {stable_mosaic.version = 14 : i64} {
  func.func @emb(%arg0: i32, %arg1: i32, %arg2: memref<4096x200xi32, #tpu.memory_space<hbm>>, %arg3: memref<1000000x64xf32, #tpu.memory_space<hbm>>, %arg4: memref<4096x200x128xf32, #tpu.memory_space<hbm>>, %arg5: memref<128x200xi32, #tpu.memory_space<vmem>>, %arg6: memref<2x200x64xf32, #tpu.memory_space<vmem>>, %arg7: memref<!tpu.dma_semaphore, #tpu.memory_space<semaphore_mem>>, %arg8: memref<!tpu.dma_semaphore, #tpu.memory_space<semaphore_mem>>, %arg9: memref<!tpu.dma_semaphore, #tpu.memory_space<semaphore_mem>>, %arg10: memref<!tpu.dma_semaphore, #tpu.memory_space<semaphore_mem>>) attributes {dimension_semantics = [#tpu.dimension_semantics<core_parallel>, #tpu.dimension_semantics<subcore_parallel>], iteration_bounds = array<i64: 2, 16>, scalar_prefetch = 0 : i64, scratch_operands = 6 : i64, tpu.core_type = #tpu.core_type<sc_vector_subcore>, window_params = [{transform_indices = #map}, {transform_indices = #map}, {transform_indices = #map1}]} {
    %mul3A = arith.constant 2 : i32
    %mul3A_0 = arith.muli %arg1, %mul3A : i32
    %add3A = arith.addi %mul3A_0, %arg0 : i32
    %mul3A_1 = arith.constant 128 : i32
    %mul3A_2 = arith.muli %add3A, %mul3A_1 : i32
    "tpu.region"() ({
      %run_scoped3A = tpu.sem_alloc : memref<!tpu.dma_semaphore, #tpu.memory_space<semaphore_mem>>
      %dma_start3A_178 = arith.constant 0 : i32
      %dma_start3A_179 = tpu.memref_slice %arg2[%mul3A_2, %dma_start3A_178] : memref<4096x200xi32, #tpu.memory_space<hbm>> -> memref<128x200xi32, #tpu.memory_space<hbm>>
      %dma_start3A_180 = arith.constant 0 : i32
      %dma_start3A_181 = tpu.memref_slice %arg2[%mul3A_2, %dma_start3A_180] : memref<4096x200xi32, #tpu.memory_space<hbm>> -> memref<128x200xi32, #tpu.memory_space<hbm>>
      tpu.enqueue_dma source(%dma_start3A_181 : memref<128x200xi32, #tpu.memory_space<hbm>>) target(%arg5 : memref<128x200xi32, #tpu.memory_space<vmem>>) target_semaphore(%run_scoped3A : memref<!tpu.dma_semaphore, #tpu.memory_space<semaphore_mem>>)
      %dma_wait3A_182 = arith.constant 0 : i32
      %dma_wait3A_183 = tpu.memref_slice %arg2[%mul3A_2, %dma_wait3A_182] : memref<4096x200xi32, #tpu.memory_space<hbm>> -> memref<128x200xi32, #tpu.memory_space<hbm>>
      %dma_wait3A_184 = arith.constant 0 : i32
      %dma_wait3A_185 = tpu.memref_slice %arg2[%mul3A_2, %dma_wait3A_184] : memref<4096x200xi32, #tpu.memory_space<hbm>> -> memref<128x200xi32, #tpu.memory_space<hbm>>
      tpu.wait_dma2 semaphore(%run_scoped3A : memref<!tpu.dma_semaphore, #tpu.memory_space<semaphore_mem>>) src(%dma_wait3A_185 : memref<128x200xi32, #tpu.memory_space<hbm>>) dst(%arg5 : memref<128x200xi32, #tpu.memory_space<vmem>>)
      tpu.yield
    }) : () -> ()
    %dma_start3A = arith.constant 0 : i32
    %dma_start3A_3 = arith.constant 0 : i32
    %dma_start3A_4 = arith.constant 0 : i32
    %dma_start3A_5 = arith.constant 0 : i32
    %dma_start3A_6 = tpu.memref_slice %arg6[%dma_start3A_3, %dma_start3A_4, %dma_start3A_5] : memref<2x200x64xf32, #tpu.memory_space<vmem>> -> memref<1x128x64xf32, #tpu.memory_space<vmem>>
    %dma_start3A_7 = tpu.memref_squeeze %dma_start3A_6 : memref<1x128x64xf32, #tpu.memory_space<vmem>> -> memref<128x64xf32, #tpu.memory_space<vmem>>
    %dma_start3A_8 = arith.constant 0 : i32
    %dma_start3A_9 = tpu.memref_slice %arg5[%dma_start3A, %dma_start3A_8] : memref<128x200xi32, #tpu.memory_space<vmem>> -> memref<1x128xi32, #tpu.memory_space<vmem>>
    %dma_start3A_10 = tpu.memref_squeeze %dma_start3A_9 : memref<1x128xi32, #tpu.memory_space<vmem>> -> memref<128xi32, #tpu.memory_space<vmem>>
    %dma_start3A_11 = arith.constant 0 : i32
    %dma_start3A_12 = arith.constant 0 : i32
    %dma_start3A_13 = tpu.memref_slice %arg3[%dma_start3A_11, %dma_start3A_12] : memref<1000000x64xf32, #tpu.memory_space<hbm>> -> memref<1000000x64xf32, #tpu.memory_space<hbm>>
    tpu.enqueue_indirect_dma source(%dma_start3A_13 : memref<1000000x64xf32, #tpu.memory_space<hbm>>) target(%dma_start3A_7 : memref<128x64xf32, #tpu.memory_space<vmem>>) offsets(%dma_start3A_10 : memref<128xi32, #tpu.memory_space<vmem>>) semaphore(%arg7 : memref<!tpu.dma_semaphore, #tpu.memory_space<semaphore_mem>>)
    %dma_start3A_14 = arith.constant 0 : i32
    %dma_start3A_15 = arith.constant 0 : i32
    %dma_start3A_16 = arith.constant 128 : i32
    %dma_start3A_17 = arith.constant 0 : i32
    %dma_start3A_18 = tpu.memref_slice %arg6[%dma_start3A_15, %dma_start3A_16, %dma_start3A_17] : memref<2x200x64xf32, #tpu.memory_space<vmem>> -> memref<1x72x64xf32, #tpu.memory_space<vmem>>
    %dma_start3A_19 = tpu.memref_squeeze %dma_start3A_18 : memref<1x72x64xf32, #tpu.memory_space<vmem>> -> memref<72x64xf32, #tpu.memory_space<vmem>>
    %dma_start3A_20 = arith.constant 128 : i32
    %dma_start3A_21 = tpu.memref_slice %arg5[%dma_start3A_14, %dma_start3A_20] : memref<128x200xi32, #tpu.memory_space<vmem>> -> memref<1x72xi32, #tpu.memory_space<vmem>>
    %dma_start3A_22 = tpu.memref_squeeze %dma_start3A_21 : memref<1x72xi32, #tpu.memory_space<vmem>> -> memref<72xi32, #tpu.memory_space<vmem>>
    %dma_start3A_23 = arith.constant 0 : i32
    %dma_start3A_24 = arith.constant 0 : i32
    %dma_start3A_25 = tpu.memref_slice %arg3[%dma_start3A_23, %dma_start3A_24] : memref<1000000x64xf32, #tpu.memory_space<hbm>> -> memref<1000000x64xf32, #tpu.memory_space<hbm>>
    tpu.enqueue_indirect_dma source(%dma_start3A_25 : memref<1000000x64xf32, #tpu.memory_space<hbm>>) target(%dma_start3A_19 : memref<72x64xf32, #tpu.memory_space<vmem>>) offsets(%dma_start3A_22 : memref<72xi32, #tpu.memory_space<vmem>>) semaphore(%arg7 : memref<!tpu.dma_semaphore, #tpu.memory_space<semaphore_mem>>)
    %dma_start3A_26 = arith.constant 1 : i32
    %dma_start3A_27 = arith.constant 1 : i32
    %dma_start3A_28 = arith.constant 0 : i32
    %dma_start3A_29 = arith.constant 0 : i32
    %dma_start3A_30 = tpu.memref_slice %arg6[%dma_start3A_27, %dma_start3A_28, %dma_start3A_29] : memref<2x200x64xf32, #tpu.memory_space<vmem>> -> memref<1x128x64xf32, #tpu.memory_space<vmem>>
    %dma_start3A_31 = tpu.memref_squeeze %dma_start3A_30 : memref<1x128x64xf32, #tpu.memory_space<vmem>> -> memref<128x64xf32, #tpu.memory_space<vmem>>
    %dma_start3A_32 = arith.constant 0 : i32
    %dma_start3A_33 = tpu.memref_slice %arg5[%dma_start3A_26, %dma_start3A_32] : memref<128x200xi32, #tpu.memory_space<vmem>> -> memref<1x128xi32, #tpu.memory_space<vmem>>
    %dma_start3A_34 = tpu.memref_squeeze %dma_start3A_33 : memref<1x128xi32, #tpu.memory_space<vmem>> -> memref<128xi32, #tpu.memory_space<vmem>>
    %dma_start3A_35 = arith.constant 0 : i32
    %dma_start3A_36 = arith.constant 0 : i32
    %dma_start3A_37 = tpu.memref_slice %arg3[%dma_start3A_35, %dma_start3A_36] : memref<1000000x64xf32, #tpu.memory_space<hbm>> -> memref<1000000x64xf32, #tpu.memory_space<hbm>>
    tpu.enqueue_indirect_dma source(%dma_start3A_37 : memref<1000000x64xf32, #tpu.memory_space<hbm>>) target(%dma_start3A_31 : memref<128x64xf32, #tpu.memory_space<vmem>>) offsets(%dma_start3A_34 : memref<128xi32, #tpu.memory_space<vmem>>) semaphore(%arg8 : memref<!tpu.dma_semaphore, #tpu.memory_space<semaphore_mem>>)
    %dma_start3A_38 = arith.constant 1 : i32
    %dma_start3A_39 = arith.constant 1 : i32
    %dma_start3A_40 = arith.constant 128 : i32
    %dma_start3A_41 = arith.constant 0 : i32
    %dma_start3A_42 = tpu.memref_slice %arg6[%dma_start3A_39, %dma_start3A_40, %dma_start3A_41] : memref<2x200x64xf32, #tpu.memory_space<vmem>> -> memref<1x72x64xf32, #tpu.memory_space<vmem>>
    %dma_start3A_43 = tpu.memref_squeeze %dma_start3A_42 : memref<1x72x64xf32, #tpu.memory_space<vmem>> -> memref<72x64xf32, #tpu.memory_space<vmem>>
    %dma_start3A_44 = arith.constant 128 : i32
    %dma_start3A_45 = tpu.memref_slice %arg5[%dma_start3A_38, %dma_start3A_44] : memref<128x200xi32, #tpu.memory_space<vmem>> -> memref<1x72xi32, #tpu.memory_space<vmem>>
    %dma_start3A_46 = tpu.memref_squeeze %dma_start3A_45 : memref<1x72xi32, #tpu.memory_space<vmem>> -> memref<72xi32, #tpu.memory_space<vmem>>
    %dma_start3A_47 = arith.constant 0 : i32
    %dma_start3A_48 = arith.constant 0 : i32
    %dma_start3A_49 = tpu.memref_slice %arg3[%dma_start3A_47, %dma_start3A_48] : memref<1000000x64xf32, #tpu.memory_space<hbm>> -> memref<1000000x64xf32, #tpu.memory_space<hbm>>
    tpu.enqueue_indirect_dma source(%dma_start3A_49 : memref<1000000x64xf32, #tpu.memory_space<hbm>>) target(%dma_start3A_43 : memref<72x64xf32, #tpu.memory_space<vmem>>) offsets(%dma_start3A_46 : memref<72xi32, #tpu.memory_space<vmem>>) semaphore(%arg8 : memref<!tpu.dma_semaphore, #tpu.memory_space<semaphore_mem>>)
    %scan3A = arith.constant 0 : i32
    %scan3A_50 = arith.constant 0 : i32
    %scan3A_51 = arith.constant 63 : i32
    %scan3A_52 = arith.addi %scan3A_50, %scan3A_51 : i32
    %scan3A_53 = arith.constant 1 : i32
    scf.for %scan3A_178 = %scan3A_50 to %scan3A_52 step %scan3A_53  : i32 {
      %mul3A_179 = arith.constant 2 : i32
      %mul3A_180 = arith.muli %scan3A_178, %mul3A_179 : i32
      %add3A_181 = arith.constant 2 : i32
      %add3A_182 = arith.addi %add3A_181, %mul3A_180 : i32
      %add3A_183 = arith.constant 0 : i32
      %add3A_184 = arith.addi %add3A_182, %add3A_183 : i32
      %sub3A = arith.constant 2 : i32
      %sub3A_185 = arith.subi %add3A_184, %sub3A : i32
      %dma_wait3A_186 = arith.constant 0 : i32
      %dma_wait3A_187 = arith.constant 0 : i32
      %dma_wait3A_188 = arith.constant 0 : i32
      %dma_wait3A_189 = tpu.memref_slice %arg6[%dma_wait3A_186, %dma_wait3A_187, %dma_wait3A_188] : memref<2x200x64xf32, #tpu.memory_space<vmem>> -> memref<1x128x64xf32, #tpu.memory_space<vmem>>
      %dma_wait3A_190 = tpu.memref_squeeze %dma_wait3A_189 : memref<1x128x64xf32, #tpu.memory_space<vmem>> -> memref<128x64xf32, #tpu.memory_space<vmem>>
      %dma_wait3A_191 = arith.constant 0 : i32
      %dma_wait3A_192 = tpu.memref_slice %arg5[%sub3A_185, %dma_wait3A_191] : memref<128x200xi32, #tpu.memory_space<vmem>> -> memref<1x128xi32, #tpu.memory_space<vmem>>
      %dma_wait3A_193 = tpu.memref_squeeze %dma_wait3A_192 : memref<1x128xi32, #tpu.memory_space<vmem>> -> memref<128xi32, #tpu.memory_space<vmem>>
      %dma_wait3A_194 = arith.constant 0 : i32
      %dma_wait3A_195 = arith.constant 0 : i32
      %dma_wait3A_196 = tpu.memref_slice %arg3[%dma_wait3A_194, %dma_wait3A_195] : memref<1000000x64xf32, #tpu.memory_space<hbm>> -> memref<1000000x64xf32, #tpu.memory_space<hbm>>
      tpu.wait_indirect_dma semaphore(%arg7 : memref<!tpu.dma_semaphore, #tpu.memory_space<semaphore_mem>>) src(%dma_wait3A_196 : memref<1000000x64xf32, #tpu.memory_space<hbm>>) dst(%dma_wait3A_190 : memref<128x64xf32, #tpu.memory_space<vmem>>)
      %dma_wait3A_197 = arith.constant 0 : i32
      %dma_wait3A_198 = arith.constant 128 : i32
      %dma_wait3A_199 = arith.constant 0 : i32
      %dma_wait3A_200 = tpu.memref_slice %arg6[%dma_wait3A_197, %dma_wait3A_198, %dma_wait3A_199] : memref<2x200x64xf32, #tpu.memory_space<vmem>> -> memref<1x72x64xf32, #tpu.memory_space<vmem>>
      %dma_wait3A_201 = tpu.memref_squeeze %dma_wait3A_200 : memref<1x72x64xf32, #tpu.memory_space<vmem>> -> memref<72x64xf32, #tpu.memory_space<vmem>>
      %dma_wait3A_202 = arith.constant 128 : i32
      %dma_wait3A_203 = tpu.memref_slice %arg5[%sub3A_185, %dma_wait3A_202] : memref<128x200xi32, #tpu.memory_space<vmem>> -> memref<1x72xi32, #tpu.memory_space<vmem>>
      %dma_wait3A_204 = tpu.memref_squeeze %dma_wait3A_203 : memref<1x72xi32, #tpu.memory_space<vmem>> -> memref<72xi32, #tpu.memory_space<vmem>>
      %dma_wait3A_205 = arith.constant 0 : i32
      %dma_wait3A_206 = arith.constant 0 : i32
      %dma_wait3A_207 = tpu.memref_slice %arg3[%dma_wait3A_205, %dma_wait3A_206] : memref<1000000x64xf32, #tpu.memory_space<hbm>> -> memref<1000000x64xf32, #tpu.memory_space<hbm>>
      tpu.wait_indirect_dma semaphore(%arg7 : memref<!tpu.dma_semaphore, #tpu.memory_space<semaphore_mem>>) src(%dma_wait3A_207 : memref<1000000x64xf32, #tpu.memory_space<hbm>>) dst(%dma_wait3A_201 : memref<72x64xf32, #tpu.memory_space<vmem>>)
      %sub3A_208 = arith.constant 2 : i32
      %sub3A_209 = arith.subi %add3A_184, %sub3A_208 : i32
      %add3A_210 = arith.addi %mul3A_2, %sub3A_209 : i32
      %dma_start3A_211 = arith.constant 0 : i32
      %dma_start3A_212 = arith.constant 0 : i32
      %dma_start3A_213 = arith.constant 0 : i32
      %dma_start3A_214 = tpu.memref_slice %arg6[%dma_start3A_211, %dma_start3A_212, %dma_start3A_213] : memref<2x200x64xf32, #tpu.memory_space<vmem>> -> memref<1x200x64xf32, #tpu.memory_space<vmem>>
      %dma_start3A_215 = tpu.memref_squeeze %dma_start3A_214 : memref<1x200x64xf32, #tpu.memory_space<vmem>> -> memref<200x64xf32, #tpu.memory_space<vmem>>
      %dma_start3A_216 = arith.constant 0 : i32
      %dma_start3A_217 = arith.constant 0 : i32
      %dma_start3A_218 = tpu.memref_slice %arg4[%add3A_210, %dma_start3A_216, %dma_start3A_217] : memref<4096x200x128xf32, #tpu.memory_space<hbm>> -> memref<1x200x64xf32, #tpu.memory_space<hbm>>
      %dma_start3A_219 = tpu.memref_squeeze %dma_start3A_218 : memref<1x200x64xf32, #tpu.memory_space<hbm>> -> memref<200x64xf32, #tpu.memory_space<hbm>>
      %dma_start3A_220 = arith.constant 0 : i32
      %dma_start3A_221 = arith.constant 0 : i32
      %dma_start3A_222 = tpu.memref_slice %arg4[%add3A_210, %dma_start3A_220, %dma_start3A_221] : memref<4096x200x128xf32, #tpu.memory_space<hbm>> -> memref<1x200x64xf32, #tpu.memory_space<hbm>>
      %dma_start3A_223 = tpu.memref_squeeze %dma_start3A_222 : memref<1x200x64xf32, #tpu.memory_space<hbm>> -> memref<200x64xf32, #tpu.memory_space<hbm>>
      %dma_start3A_224 = arith.constant 0 : i32
      %dma_start3A_225 = arith.constant 0 : i32
      %dma_start3A_226 = tpu.memref_slice %arg6[%dma_start3A_211, %dma_start3A_224, %dma_start3A_225] : memref<2x200x64xf32, #tpu.memory_space<vmem>> -> memref<1x200x64xf32, #tpu.memory_space<vmem>>
      %dma_start3A_227 = tpu.memref_squeeze %dma_start3A_226 : memref<1x200x64xf32, #tpu.memory_space<vmem>> -> memref<200x64xf32, #tpu.memory_space<vmem>>
      tpu.enqueue_dma source(%dma_start3A_227 : memref<200x64xf32, #tpu.memory_space<vmem>>) target(%dma_start3A_223 : memref<200x64xf32, #tpu.memory_space<hbm>>) target_semaphore(%arg9 : memref<!tpu.dma_semaphore, #tpu.memory_space<semaphore_mem>>)
      %sub3A_228 = arith.constant 2 : i32
      %sub3A_229 = arith.subi %add3A_184, %sub3A_228 : i32
      %add3A_230 = arith.addi %mul3A_2, %sub3A_229 : i32
      %dma_wait3A_231 = arith.constant 0 : i32
      %dma_wait3A_232 = arith.constant 0 : i32
      %dma_wait3A_233 = arith.constant 0 : i32
      %dma_wait3A_234 = tpu.memref_slice %arg6[%dma_wait3A_231, %dma_wait3A_232, %dma_wait3A_233] : memref<2x200x64xf32, #tpu.memory_space<vmem>> -> memref<1x200x64xf32, #tpu.memory_space<vmem>>
      %dma_wait3A_235 = tpu.memref_squeeze %dma_wait3A_234 : memref<1x200x64xf32, #tpu.memory_space<vmem>> -> memref<200x64xf32, #tpu.memory_space<vmem>>
      %dma_wait3A_236 = arith.constant 0 : i32
      %dma_wait3A_237 = arith.constant 0 : i32
      %dma_wait3A_238 = tpu.memref_slice %arg4[%add3A_230, %dma_wait3A_236, %dma_wait3A_237] : memref<4096x200x128xf32, #tpu.memory_space<hbm>> -> memref<1x200x64xf32, #tpu.memory_space<hbm>>
      %dma_wait3A_239 = tpu.memref_squeeze %dma_wait3A_238 : memref<1x200x64xf32, #tpu.memory_space<hbm>> -> memref<200x64xf32, #tpu.memory_space<hbm>>
      %dma_wait3A_240 = arith.constant 0 : i32
      %dma_wait3A_241 = arith.constant 0 : i32
      %dma_wait3A_242 = tpu.memref_slice %arg4[%add3A_230, %dma_wait3A_240, %dma_wait3A_241] : memref<4096x200x128xf32, #tpu.memory_space<hbm>> -> memref<1x200x64xf32, #tpu.memory_space<hbm>>
      %dma_wait3A_243 = tpu.memref_squeeze %dma_wait3A_242 : memref<1x200x64xf32, #tpu.memory_space<hbm>> -> memref<200x64xf32, #tpu.memory_space<hbm>>
      %dma_wait3A_244 = arith.constant 0 : i32
      %dma_wait3A_245 = arith.constant 0 : i32
      %dma_wait3A_246 = tpu.memref_slice %arg6[%dma_wait3A_231, %dma_wait3A_244, %dma_wait3A_245] : memref<2x200x64xf32, #tpu.memory_space<vmem>> -> memref<1x200x64xf32, #tpu.memory_space<vmem>>
      %dma_wait3A_247 = tpu.memref_squeeze %dma_wait3A_246 : memref<1x200x64xf32, #tpu.memory_space<vmem>> -> memref<200x64xf32, #tpu.memory_space<vmem>>
      tpu.wait_dma2 semaphore(%arg9 : memref<!tpu.dma_semaphore, #tpu.memory_space<semaphore_mem>>) src(%dma_wait3A_247 : memref<200x64xf32, #tpu.memory_space<vmem>>) dst(%dma_wait3A_243 : memref<200x64xf32, #tpu.memory_space<hbm>>)
      %dma_start3A_248 = arith.constant 0 : i32
      %dma_start3A_249 = arith.constant 0 : i32
      %dma_start3A_250 = arith.constant 0 : i32
      %dma_start3A_251 = tpu.memref_slice %arg6[%dma_start3A_248, %dma_start3A_249, %dma_start3A_250] : memref<2x200x64xf32, #tpu.memory_space<vmem>> -> memref<1x128x64xf32, #tpu.memory_space<vmem>>
      %dma_start3A_252 = tpu.memref_squeeze %dma_start3A_251 : memref<1x128x64xf32, #tpu.memory_space<vmem>> -> memref<128x64xf32, #tpu.memory_space<vmem>>
      %dma_start3A_253 = arith.constant 0 : i32
      %dma_start3A_254 = tpu.memref_slice %arg5[%add3A_184, %dma_start3A_253] : memref<128x200xi32, #tpu.memory_space<vmem>> -> memref<1x128xi32, #tpu.memory_space<vmem>>
      %dma_start3A_255 = tpu.memref_squeeze %dma_start3A_254 : memref<1x128xi32, #tpu.memory_space<vmem>> -> memref<128xi32, #tpu.memory_space<vmem>>
      %dma_start3A_256 = arith.constant 0 : i32
      %dma_start3A_257 = arith.constant 0 : i32
      %dma_start3A_258 = tpu.memref_slice %arg3[%dma_start3A_256, %dma_start3A_257] : memref<1000000x64xf32, #tpu.memory_space<hbm>> -> memref<1000000x64xf32, #tpu.memory_space<hbm>>
      tpu.enqueue_indirect_dma source(%dma_start3A_258 : memref<1000000x64xf32, #tpu.memory_space<hbm>>) target(%dma_start3A_252 : memref<128x64xf32, #tpu.memory_space<vmem>>) offsets(%dma_start3A_255 : memref<128xi32, #tpu.memory_space<vmem>>) semaphore(%arg7 : memref<!tpu.dma_semaphore, #tpu.memory_space<semaphore_mem>>)
      %dma_start3A_259 = arith.constant 0 : i32
      %dma_start3A_260 = arith.constant 128 : i32
      %dma_start3A_261 = arith.constant 0 : i32
      %dma_start3A_262 = tpu.memref_slice %arg6[%dma_start3A_259, %dma_start3A_260, %dma_start3A_261] : memref<2x200x64xf32, #tpu.memory_space<vmem>> -> memref<1x72x64xf32, #tpu.memory_space<vmem>>
      %dma_start3A_263 = tpu.memref_squeeze %dma_start3A_262 : memref<1x72x64xf32, #tpu.memory_space<vmem>> -> memref<72x64xf32, #tpu.memory_space<vmem>>
      %dma_start3A_264 = arith.constant 128 : i32
      %dma_start3A_265 = tpu.memref_slice %arg5[%add3A_184, %dma_start3A_264] : memref<128x200xi32, #tpu.memory_space<vmem>> -> memref<1x72xi32, #tpu.memory_space<vmem>>
      %dma_start3A_266 = tpu.memref_squeeze %dma_start3A_265 : memref<1x72xi32, #tpu.memory_space<vmem>> -> memref<72xi32, #tpu.memory_space<vmem>>
      %dma_start3A_267 = arith.constant 0 : i32
      %dma_start3A_268 = arith.constant 0 : i32
      %dma_start3A_269 = tpu.memref_slice %arg3[%dma_start3A_267, %dma_start3A_268] : memref<1000000x64xf32, #tpu.memory_space<hbm>> -> memref<1000000x64xf32, #tpu.memory_space<hbm>>
      tpu.enqueue_indirect_dma source(%dma_start3A_269 : memref<1000000x64xf32, #tpu.memory_space<hbm>>) target(%dma_start3A_263 : memref<72x64xf32, #tpu.memory_space<vmem>>) offsets(%dma_start3A_266 : memref<72xi32, #tpu.memory_space<vmem>>) semaphore(%arg7 : memref<!tpu.dma_semaphore, #tpu.memory_space<semaphore_mem>>)
      %mul3A_270 = arith.constant 2 : i32
      %mul3A_271 = arith.muli %scan3A_178, %mul3A_270 : i32
      %add3A_272 = arith.constant 2 : i32
      %add3A_273 = arith.addi %add3A_272, %mul3A_271 : i32
      %add3A_274 = arith.constant 1 : i32
      %add3A_275 = arith.addi %add3A_273, %add3A_274 : i32
      %sub3A_276 = arith.constant 2 : i32
      %sub3A_277 = arith.subi %add3A_275, %sub3A_276 : i32
      %dma_wait3A_278 = arith.constant 1 : i32
      %dma_wait3A_279 = arith.constant 0 : i32
      %dma_wait3A_280 = arith.constant 0 : i32
      %dma_wait3A_281 = tpu.memref_slice %arg6[%dma_wait3A_278, %dma_wait3A_279, %dma_wait3A_280] : memref<2x200x64xf32, #tpu.memory_space<vmem>> -> memref<1x128x64xf32, #tpu.memory_space<vmem>>
      %dma_wait3A_282 = tpu.memref_squeeze %dma_wait3A_281 : memref<1x128x64xf32, #tpu.memory_space<vmem>> -> memref<128x64xf32, #tpu.memory_space<vmem>>
      %dma_wait3A_283 = arith.constant 0 : i32
      %dma_wait3A_284 = tpu.memref_slice %arg5[%sub3A_277, %dma_wait3A_283] : memref<128x200xi32, #tpu.memory_space<vmem>> -> memref<1x128xi32, #tpu.memory_space<vmem>>
      %dma_wait3A_285 = tpu.memref_squeeze %dma_wait3A_284 : memref<1x128xi32, #tpu.memory_space<vmem>> -> memref<128xi32, #tpu.memory_space<vmem>>
      %dma_wait3A_286 = arith.constant 0 : i32
      %dma_wait3A_287 = arith.constant 0 : i32
      %dma_wait3A_288 = tpu.memref_slice %arg3[%dma_wait3A_286, %dma_wait3A_287] : memref<1000000x64xf32, #tpu.memory_space<hbm>> -> memref<1000000x64xf32, #tpu.memory_space<hbm>>
      tpu.wait_indirect_dma semaphore(%arg8 : memref<!tpu.dma_semaphore, #tpu.memory_space<semaphore_mem>>) src(%dma_wait3A_288 : memref<1000000x64xf32, #tpu.memory_space<hbm>>) dst(%dma_wait3A_282 : memref<128x64xf32, #tpu.memory_space<vmem>>)
      %dma_wait3A_289 = arith.constant 1 : i32
      %dma_wait3A_290 = arith.constant 128 : i32
      %dma_wait3A_291 = arith.constant 0 : i32
      %dma_wait3A_292 = tpu.memref_slice %arg6[%dma_wait3A_289, %dma_wait3A_290, %dma_wait3A_291] : memref<2x200x64xf32, #tpu.memory_space<vmem>> -> memref<1x72x64xf32, #tpu.memory_space<vmem>>
      %dma_wait3A_293 = tpu.memref_squeeze %dma_wait3A_292 : memref<1x72x64xf32, #tpu.memory_space<vmem>> -> memref<72x64xf32, #tpu.memory_space<vmem>>
      %dma_wait3A_294 = arith.constant 128 : i32
      %dma_wait3A_295 = tpu.memref_slice %arg5[%sub3A_277, %dma_wait3A_294] : memref<128x200xi32, #tpu.memory_space<vmem>> -> memref<1x72xi32, #tpu.memory_space<vmem>>
      %dma_wait3A_296 = tpu.memref_squeeze %dma_wait3A_295 : memref<1x72xi32, #tpu.memory_space<vmem>> -> memref<72xi32, #tpu.memory_space<vmem>>
      %dma_wait3A_297 = arith.constant 0 : i32
      %dma_wait3A_298 = arith.constant 0 : i32
      %dma_wait3A_299 = tpu.memref_slice %arg3[%dma_wait3A_297, %dma_wait3A_298] : memref<1000000x64xf32, #tpu.memory_space<hbm>> -> memref<1000000x64xf32, #tpu.memory_space<hbm>>
      tpu.wait_indirect_dma semaphore(%arg8 : memref<!tpu.dma_semaphore, #tpu.memory_space<semaphore_mem>>) src(%dma_wait3A_299 : memref<1000000x64xf32, #tpu.memory_space<hbm>>) dst(%dma_wait3A_293 : memref<72x64xf32, #tpu.memory_space<vmem>>)
      %sub3A_300 = arith.constant 2 : i32
      %sub3A_301 = arith.subi %add3A_275, %sub3A_300 : i32
      %add3A_302 = arith.addi %mul3A_2, %sub3A_301 : i32
      %dma_start3A_303 = arith.constant 1 : i32
      %dma_start3A_304 = arith.constant 0 : i32
      %dma_start3A_305 = arith.constant 0 : i32
      %dma_start3A_306 = tpu.memref_slice %arg6[%dma_start3A_303, %dma_start3A_304, %dma_start3A_305] : memref<2x200x64xf32, #tpu.memory_space<vmem>> -> memref<1x200x64xf32, #tpu.memory_space<vmem>>
      %dma_start3A_307 = tpu.memref_squeeze %dma_start3A_306 : memref<1x200x64xf32, #tpu.memory_space<vmem>> -> memref<200x64xf32, #tpu.memory_space<vmem>>
      %dma_start3A_308 = arith.constant 0 : i32
      %dma_start3A_309 = arith.constant 0 : i32
      %dma_start3A_310 = tpu.memref_slice %arg4[%add3A_302, %dma_start3A_308, %dma_start3A_309] : memref<4096x200x128xf32, #tpu.memory_space<hbm>> -> memref<1x200x64xf32, #tpu.memory_space<hbm>>
      %dma_start3A_311 = tpu.memref_squeeze %dma_start3A_310 : memref<1x200x64xf32, #tpu.memory_space<hbm>> -> memref<200x64xf32, #tpu.memory_space<hbm>>
      %dma_start3A_312 = arith.constant 0 : i32
      %dma_start3A_313 = arith.constant 0 : i32
      %dma_start3A_314 = tpu.memref_slice %arg4[%add3A_302, %dma_start3A_312, %dma_start3A_313] : memref<4096x200x128xf32, #tpu.memory_space<hbm>> -> memref<1x200x64xf32, #tpu.memory_space<hbm>>
      %dma_start3A_315 = tpu.memref_squeeze %dma_start3A_314 : memref<1x200x64xf32, #tpu.memory_space<hbm>> -> memref<200x64xf32, #tpu.memory_space<hbm>>
      %dma_start3A_316 = arith.constant 0 : i32
      %dma_start3A_317 = arith.constant 0 : i32
      %dma_start3A_318 = tpu.memref_slice %arg6[%dma_start3A_303, %dma_start3A_316, %dma_start3A_317] : memref<2x200x64xf32, #tpu.memory_space<vmem>> -> memref<1x200x64xf32, #tpu.memory_space<vmem>>
      %dma_start3A_319 = tpu.memref_squeeze %dma_start3A_318 : memref<1x200x64xf32, #tpu.memory_space<vmem>> -> memref<200x64xf32, #tpu.memory_space<vmem>>
      tpu.enqueue_dma source(%dma_start3A_319 : memref<200x64xf32, #tpu.memory_space<vmem>>) target(%dma_start3A_315 : memref<200x64xf32, #tpu.memory_space<hbm>>) target_semaphore(%arg10 : memref<!tpu.dma_semaphore, #tpu.memory_space<semaphore_mem>>)
      %sub3A_320 = arith.constant 2 : i32
      %sub3A_321 = arith.subi %add3A_275, %sub3A_320 : i32
      %add3A_322 = arith.addi %mul3A_2, %sub3A_321 : i32
      %dma_wait3A_323 = arith.constant 1 : i32
      %dma_wait3A_324 = arith.constant 0 : i32
      %dma_wait3A_325 = arith.constant 0 : i32
      %dma_wait3A_326 = tpu.memref_slice %arg6[%dma_wait3A_323, %dma_wait3A_324, %dma_wait3A_325] : memref<2x200x64xf32, #tpu.memory_space<vmem>> -> memref<1x200x64xf32, #tpu.memory_space<vmem>>
      %dma_wait3A_327 = tpu.memref_squeeze %dma_wait3A_326 : memref<1x200x64xf32, #tpu.memory_space<vmem>> -> memref<200x64xf32, #tpu.memory_space<vmem>>
      %dma_wait3A_328 = arith.constant 0 : i32
      %dma_wait3A_329 = arith.constant 0 : i32
      %dma_wait3A_330 = tpu.memref_slice %arg4[%add3A_322, %dma_wait3A_328, %dma_wait3A_329] : memref<4096x200x128xf32, #tpu.memory_space<hbm>> -> memref<1x200x64xf32, #tpu.memory_space<hbm>>
      %dma_wait3A_331 = tpu.memref_squeeze %dma_wait3A_330 : memref<1x200x64xf32, #tpu.memory_space<hbm>> -> memref<200x64xf32, #tpu.memory_space<hbm>>
      %dma_wait3A_332 = arith.constant 0 : i32
      %dma_wait3A_333 = arith.constant 0 : i32
      %dma_wait3A_334 = tpu.memref_slice %arg4[%add3A_322, %dma_wait3A_332, %dma_wait3A_333] : memref<4096x200x128xf32, #tpu.memory_space<hbm>> -> memref<1x200x64xf32, #tpu.memory_space<hbm>>
      %dma_wait3A_335 = tpu.memref_squeeze %dma_wait3A_334 : memref<1x200x64xf32, #tpu.memory_space<hbm>> -> memref<200x64xf32, #tpu.memory_space<hbm>>
      %dma_wait3A_336 = arith.constant 0 : i32
      %dma_wait3A_337 = arith.constant 0 : i32
      %dma_wait3A_338 = tpu.memref_slice %arg6[%dma_wait3A_323, %dma_wait3A_336, %dma_wait3A_337] : memref<2x200x64xf32, #tpu.memory_space<vmem>> -> memref<1x200x64xf32, #tpu.memory_space<vmem>>
      %dma_wait3A_339 = tpu.memref_squeeze %dma_wait3A_338 : memref<1x200x64xf32, #tpu.memory_space<vmem>> -> memref<200x64xf32, #tpu.memory_space<vmem>>
      tpu.wait_dma2 semaphore(%arg10 : memref<!tpu.dma_semaphore, #tpu.memory_space<semaphore_mem>>) src(%dma_wait3A_339 : memref<200x64xf32, #tpu.memory_space<vmem>>) dst(%dma_wait3A_335 : memref<200x64xf32, #tpu.memory_space<hbm>>)
      %dma_start3A_340 = arith.constant 1 : i32
      %dma_start3A_341 = arith.constant 0 : i32
      %dma_start3A_342 = arith.constant 0 : i32
      %dma_start3A_343 = tpu.memref_slice %arg6[%dma_start3A_340, %dma_start3A_341, %dma_start3A_342] : memref<2x200x64xf32, #tpu.memory_space<vmem>> -> memref<1x128x64xf32, #tpu.memory_space<vmem>>
      %dma_start3A_344 = tpu.memref_squeeze %dma_start3A_343 : memref<1x128x64xf32, #tpu.memory_space<vmem>> -> memref<128x64xf32, #tpu.memory_space<vmem>>
      %dma_start3A_345 = arith.constant 0 : i32
      %dma_start3A_346 = tpu.memref_slice %arg5[%add3A_275, %dma_start3A_345] : memref<128x200xi32, #tpu.memory_space<vmem>> -> memref<1x128xi32, #tpu.memory_space<vmem>>
      %dma_start3A_347 = tpu.memref_squeeze %dma_start3A_346 : memref<1x128xi32, #tpu.memory_space<vmem>> -> memref<128xi32, #tpu.memory_space<vmem>>
      %dma_start3A_348 = arith.constant 0 : i32
      %dma_start3A_349 = arith.constant 0 : i32
      %dma_start3A_350 = tpu.memref_slice %arg3[%dma_start3A_348, %dma_start3A_349] : memref<1000000x64xf32, #tpu.memory_space<hbm>> -> memref<1000000x64xf32, #tpu.memory_space<hbm>>
      tpu.enqueue_indirect_dma source(%dma_start3A_350 : memref<1000000x64xf32, #tpu.memory_space<hbm>>) target(%dma_start3A_344 : memref<128x64xf32, #tpu.memory_space<vmem>>) offsets(%dma_start3A_347 : memref<128xi32, #tpu.memory_space<vmem>>) semaphore(%arg8 : memref<!tpu.dma_semaphore, #tpu.memory_space<semaphore_mem>>)
      %dma_start3A_351 = arith.constant 1 : i32
      %dma_start3A_352 = arith.constant 128 : i32
      %dma_start3A_353 = arith.constant 0 : i32
      %dma_start3A_354 = tpu.memref_slice %arg6[%dma_start3A_351, %dma_start3A_352, %dma_start3A_353] : memref<2x200x64xf32, #tpu.memory_space<vmem>> -> memref<1x72x64xf32, #tpu.memory_space<vmem>>
      %dma_start3A_355 = tpu.memref_squeeze %dma_start3A_354 : memref<1x72x64xf32, #tpu.memory_space<vmem>> -> memref<72x64xf32, #tpu.memory_space<vmem>>
      %dma_start3A_356 = arith.constant 128 : i32
      %dma_start3A_357 = tpu.memref_slice %arg5[%add3A_275, %dma_start3A_356] : memref<128x200xi32, #tpu.memory_space<vmem>> -> memref<1x72xi32, #tpu.memory_space<vmem>>
      %dma_start3A_358 = tpu.memref_squeeze %dma_start3A_357 : memref<1x72xi32, #tpu.memory_space<vmem>> -> memref<72xi32, #tpu.memory_space<vmem>>
      %dma_start3A_359 = arith.constant 0 : i32
      %dma_start3A_360 = arith.constant 0 : i32
      %dma_start3A_361 = tpu.memref_slice %arg3[%dma_start3A_359, %dma_start3A_360] : memref<1000000x64xf32, #tpu.memory_space<hbm>> -> memref<1000000x64xf32, #tpu.memory_space<hbm>>
      tpu.enqueue_indirect_dma source(%dma_start3A_361 : memref<1000000x64xf32, #tpu.memory_space<hbm>>) target(%dma_start3A_355 : memref<72x64xf32, #tpu.memory_space<vmem>>) offsets(%dma_start3A_358 : memref<72xi32, #tpu.memory_space<vmem>>) semaphore(%arg8 : memref<!tpu.dma_semaphore, #tpu.memory_space<semaphore_mem>>)
    }
    %scan3A_54 = arith.constant 63 : i32
    %dma_wait3A = arith.constant 126 : i32
    %dma_wait3A_55 = arith.constant 0 : i32
    %dma_wait3A_56 = arith.constant 0 : i32
    %dma_wait3A_57 = arith.constant 0 : i32
    %dma_wait3A_58 = tpu.memref_slice %arg6[%dma_wait3A_55, %dma_wait3A_56, %dma_wait3A_57] : memref<2x200x64xf32, #tpu.memory_space<vmem>> -> memref<1x128x64xf32, #tpu.memory_space<vmem>>
    %dma_wait3A_59 = tpu.memref_squeeze %dma_wait3A_58 : memref<1x128x64xf32, #tpu.memory_space<vmem>> -> memref<128x64xf32, #tpu.memory_space<vmem>>
    %dma_wait3A_60 = arith.constant 0 : i32
    %dma_wait3A_61 = tpu.memref_slice %arg5[%dma_wait3A, %dma_wait3A_60] : memref<128x200xi32, #tpu.memory_space<vmem>> -> memref<1x128xi32, #tpu.memory_space<vmem>>
    %dma_wait3A_62 = tpu.memref_squeeze %dma_wait3A_61 : memref<1x128xi32, #tpu.memory_space<vmem>> -> memref<128xi32, #tpu.memory_space<vmem>>
    %dma_wait3A_63 = arith.constant 0 : i32
    %dma_wait3A_64 = arith.constant 0 : i32
    %dma_wait3A_65 = tpu.memref_slice %arg3[%dma_wait3A_63, %dma_wait3A_64] : memref<1000000x64xf32, #tpu.memory_space<hbm>> -> memref<1000000x64xf32, #tpu.memory_space<hbm>>
    tpu.wait_indirect_dma semaphore(%arg7 : memref<!tpu.dma_semaphore, #tpu.memory_space<semaphore_mem>>) src(%dma_wait3A_65 : memref<1000000x64xf32, #tpu.memory_space<hbm>>) dst(%dma_wait3A_59 : memref<128x64xf32, #tpu.memory_space<vmem>>)
    %dma_wait3A_66 = arith.constant 126 : i32
    %dma_wait3A_67 = arith.constant 0 : i32
    %dma_wait3A_68 = arith.constant 128 : i32
    %dma_wait3A_69 = arith.constant 0 : i32
    %dma_wait3A_70 = tpu.memref_slice %arg6[%dma_wait3A_67, %dma_wait3A_68, %dma_wait3A_69] : memref<2x200x64xf32, #tpu.memory_space<vmem>> -> memref<1x72x64xf32, #tpu.memory_space<vmem>>
    %dma_wait3A_71 = tpu.memref_squeeze %dma_wait3A_70 : memref<1x72x64xf32, #tpu.memory_space<vmem>> -> memref<72x64xf32, #tpu.memory_space<vmem>>
    %dma_wait3A_72 = arith.constant 128 : i32
    %dma_wait3A_73 = tpu.memref_slice %arg5[%dma_wait3A_66, %dma_wait3A_72] : memref<128x200xi32, #tpu.memory_space<vmem>> -> memref<1x72xi32, #tpu.memory_space<vmem>>
    %dma_wait3A_74 = tpu.memref_squeeze %dma_wait3A_73 : memref<1x72xi32, #tpu.memory_space<vmem>> -> memref<72xi32, #tpu.memory_space<vmem>>
    %dma_wait3A_75 = arith.constant 0 : i32
    %dma_wait3A_76 = arith.constant 0 : i32
    %dma_wait3A_77 = tpu.memref_slice %arg3[%dma_wait3A_75, %dma_wait3A_76] : memref<1000000x64xf32, #tpu.memory_space<hbm>> -> memref<1000000x64xf32, #tpu.memory_space<hbm>>
    tpu.wait_indirect_dma semaphore(%arg7 : memref<!tpu.dma_semaphore, #tpu.memory_space<semaphore_mem>>) src(%dma_wait3A_77 : memref<1000000x64xf32, #tpu.memory_space<hbm>>) dst(%dma_wait3A_71 : memref<72x64xf32, #tpu.memory_space<vmem>>)
    %add3A_78 = arith.constant 126 : i32
    %add3A_79 = arith.addi %mul3A_2, %add3A_78 : i32
    %dma_start3A_80 = arith.constant 0 : i32
    %dma_start3A_81 = arith.constant 0 : i32
    %dma_start3A_82 = arith.constant 0 : i32
    %dma_start3A_83 = tpu.memref_slice %arg6[%dma_start3A_80, %dma_start3A_81, %dma_start3A_82] : memref<2x200x64xf32, #tpu.memory_space<vmem>> -> memref<1x200x64xf32, #tpu.memory_space<vmem>>
    %dma_start3A_84 = tpu.memref_squeeze %dma_start3A_83 : memref<1x200x64xf32, #tpu.memory_space<vmem>> -> memref<200x64xf32, #tpu.memory_space<vmem>>
    %dma_start3A_85 = arith.constant 0 : i32
    %dma_start3A_86 = arith.constant 0 : i32
    %dma_start3A_87 = tpu.memref_slice %arg4[%add3A_79, %dma_start3A_85, %dma_start3A_86] : memref<4096x200x128xf32, #tpu.memory_space<hbm>> -> memref<1x200x64xf32, #tpu.memory_space<hbm>>
    %dma_start3A_88 = tpu.memref_squeeze %dma_start3A_87 : memref<1x200x64xf32, #tpu.memory_space<hbm>> -> memref<200x64xf32, #tpu.memory_space<hbm>>
    %dma_start3A_89 = arith.constant 0 : i32
    %dma_start3A_90 = arith.constant 0 : i32
    %dma_start3A_91 = tpu.memref_slice %arg4[%add3A_79, %dma_start3A_89, %dma_start3A_90] : memref<4096x200x128xf32, #tpu.memory_space<hbm>> -> memref<1x200x64xf32, #tpu.memory_space<hbm>>
    %dma_start3A_92 = tpu.memref_squeeze %dma_start3A_91 : memref<1x200x64xf32, #tpu.memory_space<hbm>> -> memref<200x64xf32, #tpu.memory_space<hbm>>
    %dma_start3A_93 = arith.constant 0 : i32
    %dma_start3A_94 = arith.constant 0 : i32
    %dma_start3A_95 = tpu.memref_slice %arg6[%dma_start3A_80, %dma_start3A_93, %dma_start3A_94] : memref<2x200x64xf32, #tpu.memory_space<vmem>> -> memref<1x200x64xf32, #tpu.memory_space<vmem>>
    %dma_start3A_96 = tpu.memref_squeeze %dma_start3A_95 : memref<1x200x64xf32, #tpu.memory_space<vmem>> -> memref<200x64xf32, #tpu.memory_space<vmem>>
    tpu.enqueue_dma source(%dma_start3A_96 : memref<200x64xf32, #tpu.memory_space<vmem>>) target(%dma_start3A_92 : memref<200x64xf32, #tpu.memory_space<hbm>>) target_semaphore(%arg9 : memref<!tpu.dma_semaphore, #tpu.memory_space<semaphore_mem>>)
    %dma_wait3A_97 = arith.constant 127 : i32
    %dma_wait3A_98 = arith.constant 1 : i32
    %dma_wait3A_99 = arith.constant 0 : i32
    %dma_wait3A_100 = arith.constant 0 : i32
    %dma_wait3A_101 = tpu.memref_slice %arg6[%dma_wait3A_98, %dma_wait3A_99, %dma_wait3A_100] : memref<2x200x64xf32, #tpu.memory_space<vmem>> -> memref<1x128x64xf32, #tpu.memory_space<vmem>>
    %dma_wait3A_102 = tpu.memref_squeeze %dma_wait3A_101 : memref<1x128x64xf32, #tpu.memory_space<vmem>> -> memref<128x64xf32, #tpu.memory_space<vmem>>
    %dma_wait3A_103 = arith.constant 0 : i32
    %dma_wait3A_104 = tpu.memref_slice %arg5[%dma_wait3A_97, %dma_wait3A_103] : memref<128x200xi32, #tpu.memory_space<vmem>> -> memref<1x128xi32, #tpu.memory_space<vmem>>
    %dma_wait3A_105 = tpu.memref_squeeze %dma_wait3A_104 : memref<1x128xi32, #tpu.memory_space<vmem>> -> memref<128xi32, #tpu.memory_space<vmem>>
    %dma_wait3A_106 = arith.constant 0 : i32
    %dma_wait3A_107 = arith.constant 0 : i32
    %dma_wait3A_108 = tpu.memref_slice %arg3[%dma_wait3A_106, %dma_wait3A_107] : memref<1000000x64xf32, #tpu.memory_space<hbm>> -> memref<1000000x64xf32, #tpu.memory_space<hbm>>
    tpu.wait_indirect_dma semaphore(%arg8 : memref<!tpu.dma_semaphore, #tpu.memory_space<semaphore_mem>>) src(%dma_wait3A_108 : memref<1000000x64xf32, #tpu.memory_space<hbm>>) dst(%dma_wait3A_102 : memref<128x64xf32, #tpu.memory_space<vmem>>)
    %dma_wait3A_109 = arith.constant 127 : i32
    %dma_wait3A_110 = arith.constant 1 : i32
    %dma_wait3A_111 = arith.constant 128 : i32
    %dma_wait3A_112 = arith.constant 0 : i32
    %dma_wait3A_113 = tpu.memref_slice %arg6[%dma_wait3A_110, %dma_wait3A_111, %dma_wait3A_112] : memref<2x200x64xf32, #tpu.memory_space<vmem>> -> memref<1x72x64xf32, #tpu.memory_space<vmem>>
    %dma_wait3A_114 = tpu.memref_squeeze %dma_wait3A_113 : memref<1x72x64xf32, #tpu.memory_space<vmem>> -> memref<72x64xf32, #tpu.memory_space<vmem>>
    %dma_wait3A_115 = arith.constant 128 : i32
    %dma_wait3A_116 = tpu.memref_slice %arg5[%dma_wait3A_109, %dma_wait3A_115] : memref<128x200xi32, #tpu.memory_space<vmem>> -> memref<1x72xi32, #tpu.memory_space<vmem>>
    %dma_wait3A_117 = tpu.memref_squeeze %dma_wait3A_116 : memref<1x72xi32, #tpu.memory_space<vmem>> -> memref<72xi32, #tpu.memory_space<vmem>>
    %dma_wait3A_118 = arith.constant 0 : i32
    %dma_wait3A_119 = arith.constant 0 : i32
    %dma_wait3A_120 = tpu.memref_slice %arg3[%dma_wait3A_118, %dma_wait3A_119] : memref<1000000x64xf32, #tpu.memory_space<hbm>> -> memref<1000000x64xf32, #tpu.memory_space<hbm>>
    tpu.wait_indirect_dma semaphore(%arg8 : memref<!tpu.dma_semaphore, #tpu.memory_space<semaphore_mem>>) src(%dma_wait3A_120 : memref<1000000x64xf32, #tpu.memory_space<hbm>>) dst(%dma_wait3A_114 : memref<72x64xf32, #tpu.memory_space<vmem>>)
    %add3A_121 = arith.constant 127 : i32
    %add3A_122 = arith.addi %mul3A_2, %add3A_121 : i32
    %dma_start3A_123 = arith.constant 1 : i32
    %dma_start3A_124 = arith.constant 0 : i32
    %dma_start3A_125 = arith.constant 0 : i32
    %dma_start3A_126 = tpu.memref_slice %arg6[%dma_start3A_123, %dma_start3A_124, %dma_start3A_125] : memref<2x200x64xf32, #tpu.memory_space<vmem>> -> memref<1x200x64xf32, #tpu.memory_space<vmem>>
    %dma_start3A_127 = tpu.memref_squeeze %dma_start3A_126 : memref<1x200x64xf32, #tpu.memory_space<vmem>> -> memref<200x64xf32, #tpu.memory_space<vmem>>
    %dma_start3A_128 = arith.constant 0 : i32
    %dma_start3A_129 = arith.constant 0 : i32
    %dma_start3A_130 = tpu.memref_slice %arg4[%add3A_122, %dma_start3A_128, %dma_start3A_129] : memref<4096x200x128xf32, #tpu.memory_space<hbm>> -> memref<1x200x64xf32, #tpu.memory_space<hbm>>
    %dma_start3A_131 = tpu.memref_squeeze %dma_start3A_130 : memref<1x200x64xf32, #tpu.memory_space<hbm>> -> memref<200x64xf32, #tpu.memory_space<hbm>>
    %dma_start3A_132 = arith.constant 0 : i32
    %dma_start3A_133 = arith.constant 0 : i32
    %dma_start3A_134 = tpu.memref_slice %arg4[%add3A_122, %dma_start3A_132, %dma_start3A_133] : memref<4096x200x128xf32, #tpu.memory_space<hbm>> -> memref<1x200x64xf32, #tpu.memory_space<hbm>>
    %dma_start3A_135 = tpu.memref_squeeze %dma_start3A_134 : memref<1x200x64xf32, #tpu.memory_space<hbm>> -> memref<200x64xf32, #tpu.memory_space<hbm>>
    %dma_start3A_136 = arith.constant 0 : i32
    %dma_start3A_137 = arith.constant 0 : i32
    %dma_start3A_138 = tpu.memref_slice %arg6[%dma_start3A_123, %dma_start3A_136, %dma_start3A_137] : memref<2x200x64xf32, #tpu.memory_space<vmem>> -> memref<1x200x64xf32, #tpu.memory_space<vmem>>
    %dma_start3A_139 = tpu.memref_squeeze %dma_start3A_138 : memref<1x200x64xf32, #tpu.memory_space<vmem>> -> memref<200x64xf32, #tpu.memory_space<vmem>>
    tpu.enqueue_dma source(%dma_start3A_139 : memref<200x64xf32, #tpu.memory_space<vmem>>) target(%dma_start3A_135 : memref<200x64xf32, #tpu.memory_space<hbm>>) target_semaphore(%arg10 : memref<!tpu.dma_semaphore, #tpu.memory_space<semaphore_mem>>)
    %add3A_140 = arith.constant 126 : i32
    %add3A_141 = arith.addi %mul3A_2, %add3A_140 : i32
    %dma_wait3A_142 = arith.constant 0 : i32
    %dma_wait3A_143 = arith.constant 0 : i32
    %dma_wait3A_144 = arith.constant 0 : i32
    %dma_wait3A_145 = tpu.memref_slice %arg6[%dma_wait3A_142, %dma_wait3A_143, %dma_wait3A_144] : memref<2x200x64xf32, #tpu.memory_space<vmem>> -> memref<1x200x64xf32, #tpu.memory_space<vmem>>
    %dma_wait3A_146 = tpu.memref_squeeze %dma_wait3A_145 : memref<1x200x64xf32, #tpu.memory_space<vmem>> -> memref<200x64xf32, #tpu.memory_space<vmem>>
    %dma_wait3A_147 = arith.constant 0 : i32
    %dma_wait3A_148 = arith.constant 0 : i32
    %dma_wait3A_149 = tpu.memref_slice %arg4[%add3A_141, %dma_wait3A_147, %dma_wait3A_148] : memref<4096x200x128xf32, #tpu.memory_space<hbm>> -> memref<1x200x64xf32, #tpu.memory_space<hbm>>
    %dma_wait3A_150 = tpu.memref_squeeze %dma_wait3A_149 : memref<1x200x64xf32, #tpu.memory_space<hbm>> -> memref<200x64xf32, #tpu.memory_space<hbm>>
    %dma_wait3A_151 = arith.constant 0 : i32
    %dma_wait3A_152 = arith.constant 0 : i32
    %dma_wait3A_153 = tpu.memref_slice %arg4[%add3A_141, %dma_wait3A_151, %dma_wait3A_152] : memref<4096x200x128xf32, #tpu.memory_space<hbm>> -> memref<1x200x64xf32, #tpu.memory_space<hbm>>
    %dma_wait3A_154 = tpu.memref_squeeze %dma_wait3A_153 : memref<1x200x64xf32, #tpu.memory_space<hbm>> -> memref<200x64xf32, #tpu.memory_space<hbm>>
    %dma_wait3A_155 = arith.constant 0 : i32
    %dma_wait3A_156 = arith.constant 0 : i32
    %dma_wait3A_157 = tpu.memref_slice %arg6[%dma_wait3A_142, %dma_wait3A_155, %dma_wait3A_156] : memref<2x200x64xf32, #tpu.memory_space<vmem>> -> memref<1x200x64xf32, #tpu.memory_space<vmem>>
    %dma_wait3A_158 = tpu.memref_squeeze %dma_wait3A_157 : memref<1x200x64xf32, #tpu.memory_space<vmem>> -> memref<200x64xf32, #tpu.memory_space<vmem>>
    tpu.wait_dma2 semaphore(%arg9 : memref<!tpu.dma_semaphore, #tpu.memory_space<semaphore_mem>>) src(%dma_wait3A_158 : memref<200x64xf32, #tpu.memory_space<vmem>>) dst(%dma_wait3A_154 : memref<200x64xf32, #tpu.memory_space<hbm>>)
    %add3A_159 = arith.constant 127 : i32
    %add3A_160 = arith.addi %mul3A_2, %add3A_159 : i32
    %dma_wait3A_161 = arith.constant 1 : i32
    %dma_wait3A_162 = arith.constant 0 : i32
    %dma_wait3A_163 = arith.constant 0 : i32
    %dma_wait3A_164 = tpu.memref_slice %arg6[%dma_wait3A_161, %dma_wait3A_162, %dma_wait3A_163] : memref<2x200x64xf32, #tpu.memory_space<vmem>> -> memref<1x200x64xf32, #tpu.memory_space<vmem>>
    %dma_wait3A_165 = tpu.memref_squeeze %dma_wait3A_164 : memref<1x200x64xf32, #tpu.memory_space<vmem>> -> memref<200x64xf32, #tpu.memory_space<vmem>>
    %dma_wait3A_166 = arith.constant 0 : i32
    %dma_wait3A_167 = arith.constant 0 : i32
    %dma_wait3A_168 = tpu.memref_slice %arg4[%add3A_160, %dma_wait3A_166, %dma_wait3A_167] : memref<4096x200x128xf32, #tpu.memory_space<hbm>> -> memref<1x200x64xf32, #tpu.memory_space<hbm>>
    %dma_wait3A_169 = tpu.memref_squeeze %dma_wait3A_168 : memref<1x200x64xf32, #tpu.memory_space<hbm>> -> memref<200x64xf32, #tpu.memory_space<hbm>>
    %dma_wait3A_170 = arith.constant 0 : i32
    %dma_wait3A_171 = arith.constant 0 : i32
    %dma_wait3A_172 = tpu.memref_slice %arg4[%add3A_160, %dma_wait3A_170, %dma_wait3A_171] : memref<4096x200x128xf32, #tpu.memory_space<hbm>> -> memref<1x200x64xf32, #tpu.memory_space<hbm>>
    %dma_wait3A_173 = tpu.memref_squeeze %dma_wait3A_172 : memref<1x200x64xf32, #tpu.memory_space<hbm>> -> memref<200x64xf32, #tpu.memory_space<hbm>>
    %dma_wait3A_174 = arith.constant 0 : i32
    %dma_wait3A_175 = arith.constant 0 : i32
    %dma_wait3A_176 = tpu.memref_slice %arg6[%dma_wait3A_161, %dma_wait3A_174, %dma_wait3A_175] : memref<2x200x64xf32, #tpu.memory_space<vmem>> -> memref<1x200x64xf32, #tpu.memory_space<vmem>>
    %dma_wait3A_177 = tpu.memref_squeeze %dma_wait3A_176 : memref<1x200x64xf32, #tpu.memory_space<vmem>> -> memref<200x64xf32, #tpu.memory_space<vmem>>
    tpu.wait_dma2 semaphore(%arg10 : memref<!tpu.dma_semaphore, #tpu.memory_space<semaphore_mem>>) src(%dma_wait3A_177 : memref<200x64xf32, #tpu.memory_space<vmem>>) dst(%dma_wait3A_173 : memref<200x64xf32, #tpu.memory_space<hbm>>)
    return
  }
}

</mosaic_0001>

<sc_bundles>
// kernel: kernel.3.cloned.1.call-start
scs
__scs_entry_jumppad:
0x0: {  	(pc) =	sbr.rel $0x88, $3  }
0x1: {  	(tag) =	ssettag $0x0;
	lr =	simm.s32 $0x1  }
0x2: {  	[smem:$0x3F9F] =	sst lr;
	_ =	strace $0xD0000000  }
0x3: {  	_ = 	snop  }
0x4: {  	_ = 	snop  }
0x5: {  	_ = 	snop  }
0x6: {  	_ = 	snop  }
0x7: {  	_ = 	snop  }
__scs_overlays_trampoline_lowered:
0x8: {  	[smem:$0x3FAE] =	sst s0  }
0x9: {  	[smem:$0x3FAF] =	sst s1  }
0xa: {  	[smem:$0x3FB0] =	sst s2  }
0xb: {  	[smem:$0x3FB1] =	sst s3  }
0xc: {  	[smem:$0x3FB2] =	sst s4  }
0xd: {  	[smem:$0x3FB3] =	sst s5  }
0xe: {  	[smem:$0x3FB4] =	sst s6  }
0xf: {  	[smem:$0x3FB5] =	sst s7  }
0x10: {  	[smem:$0x3FB6] =	sst s8  }
0x11: {  	[smem:$0x3FB7] =	sst s9;
	s0 =	simm.s32 @!p0 $0x0  }
0x12: {  	s1 =	sld [smem:$0x3F9D];
	s0 =	simm.s32 @p0 $0x1  }
0x13: {  	[smem:$0x3FB8] =	sst s0;
	s0 =	simm.s32 @!p1 $0x0  }
0x14: {  	s2 =	sld [smem:$0x3F9C];
	s0 =	simm.s32 @p1 $0x1  }
0x15: {  	[smem:$0x3FB9] =	sst s0;
	s0 =	simm.s32 @!p2 $0x0  }
0x16: {  	s3 =	sld [smem:$0x3FDB];
	s0 =	simm.s32 @p2 $0x1  }
0x17: {  	s4 =	simm.s32 $0x1BF5;
	[smem:$0x3FBB] =	sst s0  }
0x18: {  	s0 =	sld [smem:$0x3F9E];
	_ =	swait.ge [sflag:s4], $0x0  }
0x19: {  	s7 =	sld [smem:$0x3F9F]  }
0x1a: {  	s8 =	sadd.s32 $0xFFFFE003, lr  }
0x1b: {  	s9 =	sadd.s32 $0xFFFFFEF7, lr;
	s5 =	simm.s32 $0xFFFFFFFF;
	p2 =	slt.u32 s8, $0xFFFFF086  }
0x1c: {  	p1 =	slt.u32 s9, $0xF7A;
	s5 =	simm.s32 @!p2 $0x0  }
0x1d: {  	s5 =	simm.s32 @p1 $0x1;
	p0 =	seq.s32 s7, s2  }
0x1e: {  	s7 =	smul.u32 @!p0 $0xF7A, s2;
	p2 =	seq.s32 @!p0 s5, $0x0  }
0x1f: {  	s9 =	smul.u32 $0xF7A, s1;
	s8 =	simm.s32 @!p0 $0x1BF5;
	p2 =	por !p2, p0  }
0x20: {  	[sflag:s8] =	ssyncset.s32 @!p0 $0xFFFFF086;
	s6 =	sadd.s32 @!p0 s3, s7;
	s7 =	simm.s32 @!p0 $0x108  }
0x21: {  	s3 =	sadd.s32 s3, s9;
	s6 =	sadd.s32 @!p0 $0x88, s6;
	s7 =	simm.s32 @p2 $0x1082  }
0x22: {  	[simem:s7], [sflag:s8] =	dma.local @!p0 [hbm:s6], $0xF7A  }
0x23: {  	s9 =	sor.u32 $0xD0000000, s2;
	s6 =	simm.s32 $0x108;
	_ =	swait.ge @!p0 [sflag:s8], $0x0  }
0x24: {  	s3 =	sadd.s32 $0x88, s3;
	s6 =	simm.s32 @!p1 $0x1082;
	[sflag:s4] =	ssyncset.s32 $0xFFFFF086  }
0x25: {  	[simem:s6], [sflag:s4] =	dma.local [hbm:s3], $0xF7A  }
0x26: {  	[smem:$0x3F9F] =	sst s1;
	(tag) =	ssettag s2;
	_ =	strace s9  }
0x27: {  	s1 =	sld [smem:$0x3FAF]  }
0x28: {  	s2 =	sld [smem:$0x3FB0]  }
0x29: {  	s4 =	sld [smem:$0x3FB2]  }
0x2a: {  	p0 =	seq.s32 s5, $0x0;
	s5 =	sld [smem:$0x3FB3]  }
0x2b: {  	s6 =	sld [smem:$0x3FB4]  }
0x2c: {  	s7 =	sld [smem:$0x3FB5]  }
0x2d: {  	s3 =	simm.s32 $0x108;
	s8 =	sld [smem:$0x3FB6]  }
0x2e: {  	s3 =	simm.s32 @!p0 $0x1082;
	s9 =	sld [smem:$0x3FB7]  }
0x2f: {  	lr =	sadd.s32 s0, s3;
	s0 =	sld [smem:$0x3FAE]  }
0x30: {  	s3 =	sld [smem:$0x3FB1]  }
0x31: {  	[smem:$0x3FBA] =	sst s10  }
0x32: {  	s10 =	sld [smem:$0x3FB8];
	_ =	sdelay $0x3  }
0x33: {  	p0 =	seq.s32 s10, $0x1;
	s10 =	sld [smem:$0x3FBA];
	_ =	sdelay $0x3  }
0x34: {  	[smem:$0x3FBA] =	sst s10  }
0x35: {  	s10 =	sld [smem:$0x3FB9];
	_ =	sdelay $0x3  }
0x36: {  	p1 =	seq.s32 s10, $0x1;
	s10 =	sld [smem:$0x3FBA];
	_ =	sdelay $0x3  }
0x37: {  	[smem:$0x3FBA] =	sst s10  }
0x38: {  	s10 =	sld [smem:$0x3FBB]  }
0x39: {  	_ = 	snop;
	(pc) =	sbr.ind lr, $3  }
0x3a: {  	_ = 	snop  }
0x3b: {  	_ = 	snop  }
0x3c: {  	p2 =	seq.s32 s10, $0x1;
	s10 =	sld [smem:$0x3FBA]  }
0x3d: {  	_ =	shalt  }
0x3e: {  	_ =	shalt  }
0x3f: {  	_ =	shalt  }
0x40: {  	_ =	shalt  }
0x41: {  	_ =	shalt  }
0x42: {  	_ =	shalt  }
0x43: {  	_ =	shalt  }
0x44: {  	_ =	shalt  }
0x45: {  	_ =	shalt  }
0x46: {  	_ =	shalt  }
0x47: {  	_ =	shalt  }
0x48: {  	_ =	shalt  }
0x49: {  	_ =	shalt  }
0x4a: {  	_ =	shalt  }
0x4b: {  	_ =	shalt  }
0x4c: {  	_ =	shalt  }
0x4d: {  	_ =	shalt  }
0x4e: {  	_ =	shalt  }
0x4f: {  	_ =	shalt  }
0x50: {  	_ =	shalt  }
0x51: {  	_ =	shalt  }
0x52: {  	_ =	shalt  }
0x53: {  	_ =	shalt  }
0x54: {  	_ =	shalt  }
0x55: {  	_ =	shalt  }
0x56: {  	_ =	shalt  }
0x57: {  	_ =	shalt  }
0x58: {  	_ =	shalt  }
0x59: {  	_ =	shalt  }
0x5a: {  	_ =	shalt  }
0x5b: {  	_ =	shalt  }
0x5c: {  	_ =	shalt  }
0x5d: {  	_ =	shalt  }
0x5e: {  	_ =	shalt  }
0x5f: {  	_ =	shalt  }
0x60: {  	_ =	shalt  }
0x61: {  	_ =	shalt  }
0x62: {  	_ =	shalt  }
0x63: {  	_ =	shalt  }
0x64: {  	_ =	shalt  }
0x65: {  	_ =	shalt  }
0x66: {  	_ =	shalt  }
0x67: {  	_ =	shalt  }
0x68: {  	_ =	shalt  }
0x69: {  	_ =	shalt  }
0x6a: {  	_ =	shalt  }
0x6b: {  	_ =	shalt  }
0x6c: {  	_ =	shalt  }
0x6d: {  	_ =	shalt  }
0x6e: {  	_ =	shalt  }
0x6f: {  	_ =	shalt  }
0x70: {  	_ =	shalt  }
0x71: {  	_ =	shalt  }
0x72: {  	_ =	shalt  }
0x73: {  	_ =	shalt  }
0x74: {  	_ =	shalt  }
0x75: {  	_ =	shalt  }
0x76: {  	_ =	shalt  }
0x77: {  	_ =	shalt  }
0x78: {  	_ =	shalt  }
0x79: {  	_ =	shalt  }
0x7a: {  	_ =	shalt  }
0x7b: {  	_ =	shalt  }
0x7c: {  	_ =	shalt  }
0x7d: {  	_ =	shalt  }
0x7e: {  	_ =	shalt  }
0x7f: {  	_ =	shalt  }
0x80: {  	_ =	shalt  }
0x81: {  	_ =	shalt  }
0x82: {  	_ =	shalt  }
0x83: {  	_ =	shalt  }
0x84: {  	_ =	shalt  }
0x85: {  	_ =	shalt  }
0x86: {  	_ =	shalt  }
0x87: {  	_ =	shalt  }
.Lfunc_end0:
.L_simem_size_0:
called_computation.1_lowered:
.L_overlay_start_0:
0x88: {  	s2 =	sld [smem:$0x3FD9]  }
0x89: {  	s3 =	sld [smem:$0x3FFE];
	_ =	sdelay $0x1  }
0x8a: {  	s1 =	srdreg.scid  }
0x8b: {  	s0 =	sand.u32 $0x1, s1  }
0x8c: {  	s17 =	sshll.u32 s0, $0xA;
	s2 =	sadd.s32 s3, s2  }
0x8d: {  	s2 =	sadd.s32 s2, s17  }
0x8e: {  	[smem:$0x3FC6] =	sst s2  }
0x8f: {  	_ = 	snop  }
0x90: {  	s2 =	sld [smem:$0x3FD0];
	(tm) =	ssettm $0x1  }
0x91: {  	s18 =	sld [smem:$0x3FFB];
	_ =	sdelay $0x3  }
0x92: {  	_ =	strace s18  }
0x93: {  	s3 =	sld [smem:$0x3FFC];
	_ =	sdelay $0x3  }
0x94: {  	_ =	strace s3  }
0x95: {  	s3 =	sld [smem:$0x3FFD];
	_ =	sdelay $0x3  }
0x96: {  	_ =	strace s3  }
0x97: {  	_ =	strace $0x8FFFFFFF  }
0x98: {  	s19 =	sld [smem:$0x3FDB];
	_ =	sdelay $0x1  }
0x99: {  	s4 =	simm.s32 $_scs_section_size  }
0x9a: {  	s5 =	simm.s32 $_size__tile_overlayer_lowered;
	s6 =	simm.s32 $_tile_overlayer_lowered  }
0x9b: {  	s22 =	simm.s32 $0x1BFF;
	s21 =	sshll.u32 s6, $0x1;
	s3 =	sadd.s32 s4, s19  }
0x9c: {  	s7 =	simm.s32 $0x0;
	s20 =	sshll.u32 s5, $0x1;
	s5 =	sadd.s32 s21, s3  }
0x9d: {  	[timem:s7], [sflag:s22] =	dma.local [hbm:s5], s20  }
0x9e: {  	_ =	swait.ge [sflag:s22], s20  }
0x9f: {  	s4 =	ssub.s32 $0x0, s20;
	[sflag:s22] =	ssyncset.done $0x0  }
0xa0: {  	[sflag:s22] =	ssyncadd.s32 s4;
	_ =	sdelay $0x1  }
0xa1: {  	s23 =	simm.s32 $0x1B8B  }
0xa2: {  	_ =	swait.ge [sflag:s23], $0x1  }
0xa3: {  	[sflag:s23] =	ssyncset.done $0x0  }
0xa4: {  	s25 =	simm.s32 $0x1B8E;
	s24 =	sld [smem:$0x3FFE];
	[sflag:s23] =	ssyncadd.s32 $0xFFFFFFFF  }
0xa5: {  	s26 =	simm.s32 $execute0_lowered;
	[smem:$0x3FD2] =	sst s25  }
0xa6: {  	s5 =	sshll.u32 s26, $0x1;
	_ =	strace $0x80000046;
	[dreg:$0x1] =	wrdreg $0xFFFFFFFF  }
0xa7: {  	s28 =	simm.s32 $_size_execute0_lowered;
	s3 =	sadd.s32 s3, s5;
	[dreg:$0x0] =	wrdreg $0x0  }
0xa8: {  	s5 =	sshll.u32 s28, $0x1;
	[dreg:$0x2] =	wrdreg s3  }
0xa9: {  	[dreg:$0x3] =	wrdreg s5  }
0xaa: {  	[dreg:$0x4] =	wrdreg $0xC0  }
0xab: {  	_ =	task [dreg:s7], $0x5FFFF  }
0xac: {  	[dreg:$0x1] =	wrdreg $0xFFFFFFFF  }
0xad: {  	[dreg:$0x0] =	wrdreg $0x60  }
0xae: {  	[dreg:$0x2] =	wrdreg s2  }
0xaf: {  	[dreg:$0x3] =	wrdreg s24  }
0xb0: {  	[dreg:$0x4] =	wrdreg $0x9  }
0xb1: {  	_ =	task.clear_ibuf [dreg:s7], $0x5FFFF;
	_ =	strace $0x90000046  }
0xb2: {  	s29 =	simm.s32 $0x9;
	_ =	strace $0x80000048  }
0xb3: {  	_ =	swait.ge [sflag:s29], $0x1  }
0xb4: {  	[sflag:s29] =	ssyncadd.s32 $0xFFFFFFFF  }
0xb5: {  	_ =	strace $0x90000048  }
0xb6: {  	_ =	sfence  }
0xb7: {  	s30 =	sld [smem:$0x0];
	_ =	sdelay $0x2  }
0xb8: {  	s31 =	sshll.u32 s1, $0xD;
	s1 =	sshrl.u32 s1, $0x2  }
0xb9: {  	s3 =	sand.u32 $0x4000, s31;
	s1 =	sadd.s32 s1, s30  }
0xba: {  	s0 =	sor.u32 s3, s0;
	s1 =	sshll.u32 s1, $0x11  }
0xbb: {  	s0 =	sor.u32 s1, s0  }
0xbc: {  	s0 =	sadd.s32 $0x8F2B, s0  }
0xbd: {  	[sflag:s0] =	ssyncadd.remote.s32 $0x1  }
0xbe: {  	_ =	sfence.sel $0xFFFF  }
0xbf: {  	[dreg:$0x0] =	wrdreg $0xFFFFFFFF;
	(pc) =	sbr.abs _section_cstart, $3  }
0xc0: {  	[dreg:$0x1] =	wrdreg $0xFFFFFFFF  }
0xc1: {  	_ =	task.clear_ibuf [dreg:s7], $0x2FFFF;
	_ =	strace $0x9FFFFFFF  }
0xc2: {  	(tm) =	ssettm $0x7FFFFFFF  }
0xc3: {  	_ =	shalt  }
tec
execute0_lowered:
.L_overlay_start_1:
0x0: {  	(tag) =	ssettag $0x1  }
0x1: {  	s4 =	rddreg [dreg:$0x0]  }
0x2: {  	s5 =	rddreg [dreg:$0x1]  }
0x3: {  	s0 =	rddreg [dreg:$0x2];
	s3 =	srdreg.scid;
	s2 =	simm.s32 $0x0  }
0x4: {  	s1 =	stileid.u32;
	s13 =	simm.s32 $0x8400;
	s14 =	simm.s32 $0xC8  }
0x5: {  	s15 =	simm.s32 $0x9600;
	s16 =	simm.s32 $0x148;
	s17 =	simm.s32 $0xB600  }
0x6: {  	s18 =	simm.s32 $0x1;
	s19 =	simm.s32 $0x40;
	s20 =	simm.s32 $0x3  }
0x7: {  	s21 =	simm.s32 $0x2;
	s22 =	simm.s32 $0x4;
	s6 =	sand.u32 $0x1, s3  }
0x8: {  	s23 =	simm.s32 $0x0;
	s30 =	sshll.u32 s1, $0x8;
	s7 =	sshll.u32 s6, $0x7  }
0x9: {  	[smem:$0x7FF] =	sst s2;
	s11 =	smul.u32 $0xC8000, s1;
	s7 =	sor.u32 s7, s30  }
0xa: {  	s3 =	sadd.s32 $0xF42E00, s5;
	s31 =	ssub.s32 $0x2, s6;
	s8 =	smul.u32 $0x6400, s7  }
0xb: {  	s9 =	sadd.s32 $0xA00, s5;
	s10 =	sshrl.u32 s31, $0x1;
	s7 =	smul.u32 $0x19, s7  }
0xc: {  	_ =	strace $0x80000047;
	s12 =	smul.u32 $0x64000, s6;
	s10 =	ssub.s32 s31, s10  }
0xd: {  	s8 =	sshrl.u32 s8, $0x3;
	s4 =	sadd.s32 s4, s7;
	s7 =	smax.u32 s10, $0x1  }
0xe: {  	s10 =	simm.s32 $0x80;
	s8 =	sadd.s32 s9, s8;
	s9 =	sadd.s32 s11, s9  }
0xf: {  	s11 =	simm.s32 $0x6400;
	s5 =	sadd.s32 $0x62700, s8;
	s6 =	sadd.s32 $0x63380, s8  }
0x10: {  	s8 =	sadd.s32 s12, s9;
	s9 =	simm.s32 $0x5;
	s12 =	simm.s32 $0x48  }
.LBB2_1:
0x11: {  	[tilespmem:s2], [sflag:$0x5] =	stream.linear.gather [hbm4b:s4+s2], $0x6400, $0x38;
	[tilespmem:$0xC800] =	vst v63  }
0x12: {  	_ =	swait.ge [sflag:s9], $0x6400  }
0x13: {  	[sflag:s9] =	ssyncset.done $0x0  }
0x14: {  	[sflag:s9] =	ssyncadd.s32 $0xFFFF9C00  }
0x15: {  	[tilespmem:s11], [sflag:$0x1] =	stream.indirect.gather [hbm4b:s3+s10], $0x40, s2, s10, $0xb8;
	[tilespmem:$0xC800] =	vst v63  }
0x16: {  	_ = 	snop  }
0x17: {  	[tilespmem:s13], [sflag:$0x1] =	stream.indirect.gather [hbm4b:s3+s12], $0x40, s10, s12, $0xb8;
	[tilespmem:$0xC800] =	vst v63  }
0x18: {  	_ = 	snop  }
0x19: {  	[tilespmem:s15], [sflag:$0x2] =	stream.indirect.gather [hbm4b:s3+s10], $0x40, s14, s10, $0xb8;
	[tilespmem:$0xC800] =	vst v63  }
0x1a: {  	_ = 	snop  }
0x1b: {  	[tilespmem:s17], [sflag:$0x2] =	stream.indirect.gather [hbm4b:s3+s12], $0x40, s16, s12, $0xb8;
	[tilespmem:$0xC800] =	vst v63  }
0x1c: {  	_ =	swait.ge [sflag:s18], $0x2000  }
0x1d: {  	[sflag:s18] =	ssyncset.done $0x0  }
0x1e: {  	[sflag:s18] =	ssyncadd.s32 $0xFFFFE000  }
0x1f: {  	_ =	swait.ge [sflag:s18], $0x1200  }
0x20: {  	[sflag:s18] =	ssyncset.done $0x0  }
0x21: {  	[sflag:s18] =	ssyncadd.s32 $0xFFFFEE00  }
0x22: {  	[hbm4b:s8+s19] =	stream.strided.scatter [tilespmem:s11], [sflag:$0x3], $0x3200, s10, s19, $0x38;
	[tilespmem:$0xC800] =	vst v63  }
0x23: {  	_ =	swait.ge [sflag:s20], $0x3200  }
0x24: {  	[sflag:s20] =	ssyncset.done $0x0  }
0x25: {  	s24 =	simm.s32 $0x190;
	[sflag:s20] =	ssyncadd.s32 $0xFFFFCE00  }
0x26: {  	[tilespmem:s11], [sflag:$0x1] =	stream.indirect.gather [hbm4b:s3+s10], $0x40, s24, s10, $0xb8;
	[tilespmem:$0xC800] =	vst v63  }
0x27: {  	s29 =	simm.s32 $0x210  }
0x28: {  	[tilespmem:s13], [sflag:$0x1] =	stream.indirect.gather [hbm4b:s3+s12], $0x40, s29, s12, $0xb8;
	[tilespmem:$0xC800] =	vst v63  }
0x29: {  	_ =	swait.ge [sflag:s21], $0x2000  }
0x2a: {  	[sflag:s21] =	ssyncset.done $0x0  }
0x2b: {  	[sflag:s21] =	ssyncadd.s32 $0xFFFFE000  }
0x2c: {  	_ =	swait.ge [sflag:s21], $0x1200  }
0x2d: {  	[sflag:s21] =	ssyncset.done $0x0  }
0x2e: {  	s30 =	sadd.s32 $0xC80, s8;
	[sflag:s21] =	ssyncadd.s32 $0xFFFFEE00  }
0x2f: {  	[hbm4b:s30+s19] =	stream.strided.scatter [tilespmem:s15], [sflag:$0x4], $0x3200, s10, s19, $0x38;
	[tilespmem:$0xC800] =	vst v63  }
0x30: {  	_ =	swait.ge [sflag:s22], $0x3200  }
0x31: {  	s31 =	simm.s32 $0x258;
	s26 =	simm.s32 $0x2D8;
	[sflag:s22] =	ssyncset.done $0x0  }
0x32: {  	s25 =	sadd.s32 $0x1900, s8;
	s24 =	simm.s32 $0x640;
	[sflag:s22] =	ssyncadd.s32 $0xFFFFCE00  }
0x33: {  	[tilespmem:s15], [sflag:$0x2] =	stream.indirect.gather [hbm4b:s3+s10], $0x40, s31, s10, $0xb8;
	[tilespmem:$0xC800] =	vst v63  }
.LBB2_2:
0x34: {  	[tilespmem:s17], [sflag:$0x2] =	stream.indirect.gather [hbm4b:s3+s12], $0x40, s26, s12, $0xb8;
	[tilespmem:$0xC800] =	vst v63  }
0x35: {  	s26 =	smov.u32 s24  }
0x36: {  	p0 =	sne.s32 s24, $0x18380;
	s24 =	sadd.s32 $0x640, s24;
	_ =	swait.ge [sflag:s18], $0x2000  }
0x37: {  	[sflag:s18] =	ssyncset.done $0x0  }
0x38: {  	[sflag:s18] =	ssyncadd.s32 $0xFFFFE000  }
0x39: {  	_ =	swait.ge [sflag:s18], $0x1200  }
0x3a: {  	[sflag:s18] =	ssyncset.done $0x0  }
0x3b: {  	[sflag:s18] =	ssyncadd.s32 $0xFFFFEE00  }
0x3c: {  	[hbm4b:s25+s19] =	stream.strided.scatter [tilespmem:s11], [sflag:$0x3], $0x3200, s10, s19, $0x38;
	[tilespmem:$0xC800] =	vst v63  }
0x3d: {  	_ =	swait.ge [sflag:s20], $0x3200  }
0x3e: {  	s26 =	sshra.s32 s26, $0x2;
	[sflag:s20] =	ssyncset.done $0x0  }
0x3f: {  	s28 =	sadd.s32 $0x190, s26;
	[sflag:s20] =	ssyncadd.s32 $0xFFFFCE00  }
0x40: {  	[tilespmem:s11], [sflag:$0x1] =	stream.indirect.gather [hbm4b:s3+s10], $0x40, s28, s10, $0xb8;
	[tilespmem:$0xC800] =	vst v63  }
0x41: {  	s28 =	sadd.s32 $0x210, s26  }
0x42: {  	[tilespmem:s13], [sflag:$0x1] =	stream.indirect.gather [hbm4b:s3+s12], $0x40, s28, s12, $0xb8;
	[tilespmem:$0xC800] =	vst v63  }
0x43: {  	_ =	swait.ge [sflag:s21], $0x2000  }
0x44: {  	[sflag:s21] =	ssyncset.done $0x0  }
0x45: {  	[sflag:s21] =	ssyncadd.s32 $0xFFFFE000  }
0x46: {  	_ =	swait.ge [sflag:s21], $0x1200  }
0x47: {  	[sflag:s21] =	ssyncset.done $0x0  }
0x48: {  	s28 =	sadd.s32 $0xC80, s25;
	[sflag:s21] =	ssyncadd.s32 $0xFFFFEE00  }
0x49: {  	[hbm4b:s28+s19] =	stream.strided.scatter [tilespmem:s15], [sflag:$0x4], $0x3200, s10, s19, $0x38;
	[tilespmem:$0xC800] =	vst v63  }
.Ltmp0:
0x4a: {  	_ =	swait.ge [sflag:s22], $0x3200;
	(pc) =	sbr.rel @p0 .LBB2_2-.Ltmp0, $4  }
0x4b: {  	[sflag:s22] =	ssyncset.done $0x0  }
0x4c: {  	s28 =	sadd.s32 $0x258, s26;
	[sflag:s22] =	ssyncadd.s32 $0xFFFFCE00  }
0x4d: {  	[tilespmem:s15], [sflag:$0x2] =	stream.indirect.gather [hbm4b:s3+s10], $0x40, s28, s10, $0xb8;
	[tilespmem:$0xC800] =	vst v63  }
0x4e: {  	s25 =	sadd.s32 $0x1900, s25;
	s26 =	sadd.s32 $0x2D8, s26  }
0x4f: {  	[tilespmem:s17], [sflag:$0x2] =	stream.indirect.gather [hbm4b:s3+s12], $0x40, s26, s12, $0xb8;
	[tilespmem:$0xC800] =	vst v63  }
0x50: {  	_ =	swait.ge [sflag:s18], $0x2000  }
0x51: {  	[sflag:s18] =	ssyncset.done $0x0  }
0x52: {  	[sflag:s18] =	ssyncadd.s32 $0xFFFFE000  }
0x53: {  	_ =	swait.ge [sflag:s18], $0x1200  }
0x54: {  	[sflag:s18] =	ssyncset.done $0x0  }
0x55: {  	[sflag:s18] =	ssyncadd.s32 $0xFFFFEE00  }
0x56: {  	[hbm4b:s5+s19] =	stream.strided.scatter [tilespmem:s11], [sflag:$0x3], $0x3200, s10, s19, $0x38;
	[tilespmem:$0xC800] =	vst v63  }
0x57: {  	_ =	swait.ge [sflag:s21], $0x2000  }
0x58: {  	[sflag:s21] =	ssyncset.done $0x0  }
0x59: {  	[sflag:s21] =	ssyncadd.s32 $0xFFFFE000  }
0x5a: {  	_ =	swait.ge [sflag:s21], $0x1200  }
0x5b: {  	[sflag:s21] =	ssyncset.done $0x0  }
0x5c: {  	s23 =	sadd.s32 $0x1, s23;
	[sflag:s21] =	ssyncadd.s32 $0xFFFFEE00  }
0x5d: {  	[hbm4b:s6+s19] =	stream.strided.scatter [tilespmem:s15], [sflag:$0x4], $0x3200, s10, s19, $0x38;
	[tilespmem:$0xC800] =	vst v63  }
0x5e: {  	p0 =	sne.s32 s23, s7;
	_ =	swait.ge [sflag:s20], $0x3200  }
.Ltmp1:
0x5f: {  	[sflag:s20] =	ssyncset.done $0x0;
	(pc) =	sbr.rel @p0 .LBB2_1-.Ltmp1, $4  }
0x60: {  	[sflag:s20] =	ssyncadd.s32 $0xFFFFCE00  }
0x61: {  	_ =	swait.ge [sflag:s22], $0x3200  }
0x62: {  	[sflag:s22] =	ssyncset.done $0x0  }
0x63: {  	[sflag:s22] =	ssyncadd.s32 $0xFFFFCE00  }
0x64: {  	_ =	sfence.sel $0x180000  }
0x65: {  	[bflag:$0x0] =	sbarrier.arrive $0xFFFF  }
0x66: {  	p0 =	sne.s32 s1, $0x0;
	_ =	strace $0x90000047  }
0x67: {  	s0 =	sadd.s32 @!p0 $0x100000, s0;
	[bflag:$0x2] =	sbarrier.arrive $0xFFFF  }
0x68: {  	[sflag:s0] =	ssyncadd.tile.s32 @!p0 $0x1;
	_ =	shalt  }
.Lfunc_end2:
_tile_overlayer_lowered:
.L_overlay_start_2:
0x69: {  	(tag) =	ssettag $0x2  }
0x6a: {  	s0 =	rddreg [dreg:$0x0];
	s2 =	stileid.u32  }
0x6b: {  	s1 =	rddreg [dreg:$0x1];
	p0 =	sne.s32 s2, $0x0  }
0x6c: {  	s3 =	rddreg [dreg:$0x2];
	[bflag:$0x3] =	sbarrier.arrive $0xFFFF;
	s2 =	simm.s32 @!p0 $0x1C05  }
0x6d: {  	[timem:s3], [sflag:s2] =	dma.local @!p0 [hbm:s0], s1  }
0x6e: {  	s0 =	simm.s32 @!p0 $0x5  }
0x6f: {  	_ =	swait.ge @!p0 [sflag:s0], s1  }
0x70: {  	s1 =	ssub.s32 @!p0 $0x0, s1;
	[sflag:s0] =	ssyncset.done @!p0 $0x0  }
0x71: {  	[sflag:s0] =	ssyncadd.s32 @!p0 s1  }
0x72: {  	[bflag:$0x3] =	sbarrier.arrive $0xFFFF  }
0x73: {  	_ =	shalt  }

// kernel: sparse-core-data-format-call.cloned.1.call-start
scs
called_computation_lowered:
.L_overlay_start_0:
0x0: {  	s2 =	sld [smem:$0x3FD9]  }
0x1: {  	s3 =	sld [smem:$0x3FFE];
	_ =	sdelay $0x1  }
0x2: {  	s1 =	srdreg.scid  }
0x3: {  	s0 =	sand.u32 $0x1, s1  }
0x4: {  	s18 =	sshll.u32 s0, $0xA;
	s2 =	sadd.s32 s3, s2  }
0x5: {  	s2 =	sadd.s32 s2, s18  }
0x6: {  	[smem:$0x3FC6] =	sst s2  }
0x7: {  	_ = 	snop  }
0x8: {  	s2 =	sld [smem:$0x3FD0];
	(tm) =	ssettm $0x1  }
0x9: {  	s19 =	sld [smem:$0x3FFB];
	_ =	sdelay $0x3  }
0xa: {  	_ =	strace s19  }
0xb: {  	s3 =	sld [smem:$0x3FFC];
	_ =	sdelay $0x3  }
0xc: {  	_ =	strace s3  }
0xd: {  	s3 =	sld [smem:$0x3FFD];
	_ =	sdelay $0x3  }
0xe: {  	_ =	strace s3  }
0xf: {  	_ =	strace $0x8FFFFFFF  }
0x10: {  	s20 =	sld [smem:$0x3FDB];
	_ =	sdelay $0x1  }
0x11: {  	s4 =	simm.s32 $_scs_section_size  }
0x12: {  	s5 =	simm.s32 $_size__tile_overlayer_lowered;
	s6 =	simm.s32 $_tile_overlayer_lowered  }
0x13: {  	s23 =	simm.s32 $0x1BFF;
	s22 =	sshll.u32 s6, $0x1;
	s3 =	sadd.s32 s4, s20  }
0x14: {  	s7 =	simm.s32 $0x0;
	s21 =	sshll.u32 s5, $0x1;
	s5 =	sadd.s32 s22, s3  }
0x15: {  	[timem:s7], [sflag:s23] =	dma.local [hbm:s5], s21  }
0x16: {  	_ =	swait.ge [sflag:s23], s21  }
0x17: {  	s4 =	ssub.s32 $0x0, s21;
	[sflag:s23] =	ssyncset.done $0x0  }
0x18: {  	[sflag:s23] =	ssyncadd.s32 s4;
	_ =	sdelay $0x1  }
0x19: {  	s24 =	simm.s32 $0x1B8B  }
0x1a: {  	_ =	swait.ge [sflag:s24], $0x1  }
0x1b: {  	[sflag:s24] =	ssyncset.done $0x0  }
0x1c: {  	s26 =	simm.s32 $0x1B8E;
	s25 =	sld [smem:$0x3FFE];
	[sflag:s24] =	ssyncadd.s32 $0xFFFFFFFF  }
0x1d: {  	s27 =	simm.s32 $execute0_lowered;
	[smem:$0x3FD2] =	sst s26  }
0x1e: {  	s5 =	sshll.u32 s27, $0x1;
	_ =	strace $0x80000049;
	[dreg:$0x1] =	wrdreg $0xFFFFFFFF  }
0x1f: {  	s28 =	simm.s32 $_size_execute0_lowered;
	s3 =	sadd.s32 s3, s5;
	[dreg:$0x0] =	wrdreg $0x0  }
0x20: {  	s5 =	sshll.u32 s28, $0x1;
	[dreg:$0x2] =	wrdreg s3  }
0x21: {  	[dreg:$0x3] =	wrdreg s5  }
0x22: {  	[dreg:$0x4] =	wrdreg $0xC0  }
0x23: {  	_ =	task [dreg:s7], $0x5FFFF  }
0x24: {  	[dreg:$0x1] =	wrdreg $0xFFFFFFFF  }
0x25: {  	[dreg:$0x0] =	wrdreg $0x60  }
0x26: {  	[dreg:$0x2] =	wrdreg s25  }
0x27: {  	[dreg:$0x3] =	wrdreg s2  }
0x28: {  	[dreg:$0x4] =	wrdreg $0x9  }
0x29: {  	_ =	task.clear_ibuf [dreg:s7], $0x5FFFF;
	_ =	strace $0x90000049  }
0x2a: {  	s29 =	simm.s32 $0x9;
	_ =	strace $0x8000004B  }
0x2b: {  	_ =	swait.ge [sflag:s29], $0x1  }
0x2c: {  	[sflag:s29] =	ssyncadd.s32 $0xFFFFFFFF  }
0x2d: {  	_ =	strace $0x9000004B  }
0x2e: {  	_ =	sfence  }
0x2f: {  	s30 =	sld [smem:$0x0];
	_ =	sdelay $0x2  }
0x30: {  	s31 =	sshll.u32 s1, $0xD;
	s1 =	sshrl.u32 s1, $0x2  }
0x31: {  	s3 =	sand.u32 $0x4000, s31;
	s1 =	sadd.s32 s1, s30  }
0x32: {  	s0 =	sor.u32 s3, s0;
	s1 =	sshll.u32 s1, $0x11  }
0x33: {  	s0 =	sor.u32 s1, s0  }
0x34: {  	s0 =	sadd.s32 $0x8F2B, s0  }
0x35: {  	[sflag:s0] =	ssyncadd.remote.s32 $0x1  }
0x36: {  	_ =	sfence.sel $0xFFFF  }
0x37: {  	[dreg:$0x0] =	wrdreg $0xFFFFFFFF;
	(pc) =	sbr.abs _section_cstart, $3  }
0x38: {  	[dreg:$0x1] =	wrdreg $0xFFFFFFFF  }
0x39: {  	_ =	task.clear_ibuf [dreg:s7], $0x2FFFF;
	_ =	strace $0x9FFFFFFF  }
0x3a: {  	(tm) =	ssettm $0x7FFFFFFF  }
0x3b: {  	_ =	shalt  }
tec
execute0_lowered:
.L_overlay_start_1:
0x0: {  	(tag) =	ssettag $0x1  }
0x1: {  	s0 =	srdreg.scid  }
0x2: {  	s1 =	sshll.u32 s0, $0x4  }
0x3: {  	s0 =	stileid.u32;
	s1 =	sand.u32 $0x10, s1  }
0x4: {  	s1 =	sor.u32 s0, s1  }
0x5: {  	s6 =	rddreg [dreg:$0x0];
	s4 =	simm.s32 $0x1;
	s2 =	sshll.u32 s1, $0x7  }
0x6: {  	s7 =	simm.s32 $0x2;
	s12 =	simm.s32 $0x0;
	s1 =	ssub.s32 $0x1000, s2  }
0x7: {  	s8 =	simm.s32 $0x8000;
	s13 =	simm.s32 $0x0;
	s3 =	sand.u32 $0xF80, s1  }
0x8: {  	s9 =	simm.s32 $0x0;
	s5 =	sshrl.u32 s1, $0xC;
	p0 =	sne.s32 s3, $0x0  }
.Ltmp0:
0x9: {  	s1 =	rddreg [dreg:$0x2];
	s4 =	simm.s32 @!p0 $0x0;
	(pc) =	sbr.rel .LBB1_1-.Ltmp0, $4  }
0xa: {  	s11 =	simm.s32 $0x0;
	s3 =	rddreg [dreg:$0x1];
	s5 =	sadd.s32 s4, s5  }
0xb: {  	_ =	strace $0x8000004A;
	s4 =	simm.s32 $0x1;
	s5 =	smul.u32 $0xC8, s5  }
0xc: {  	s6 =	sadd.s32 $0xA00, s6;
	s10 =	smov.u32 s2;
	[sflag:s4] =	ssyncpa.u1 $0x0  }
0xd: {  	p0 =	por $0x0, $0x0;
	[sflag:s7] =	ssyncpa.u1 $0x0;
	s7 =	sor.u32 $0x1, s5  }
.LBB1_4:
0xe: {  	s16 =	sshll.u32 s13, $0x3;
	s17 =	sand.u32 $0x78, s13  }
0xf: {  	s30 =	sand.u32 $0x7E00, s13;
	s12 =	sshll.u32 s12, $0xF;
	s16 =	sand.u32 $0xC00, s16  }
0x10: {  	[tilespmem:s15+$0x810 ss:$0x81] =	vst.msk $0xffff, v2;
	s31 =	sand.u32 $0x7, s13;
	s16 =	sor.u32 s17, s16;
	s17 =	sadd.s32 s3, s30  }
0x11: {  	[tilespmem:s15+$0x1020 ss:$0x81] =	vst.msk $0xffff, v0;
	s13 =	sshll.u32 s31, $0x12;
	s12 =	sadd.s32 s12, s17;
	s16 =	sshrl.u32 s16, $0x3  }
0x12: {  	[tilespmem:s15+$0x0 ss:$0x81] =	vst.msk $0xffff, v1;
	s13 =	sor.u32 $0x400, s13;
	s12 =	sadd.s32 s16, s12  }
0x13: {  	[hbm4b:s12+s13] =	stream.strided.scatter [tilespmem:s14], [sflag:$0x2], $0x2000, s8, s13, $0x20;
	[tilespmem:$0x8080] =	vst v63  }
.LBB1_5:
0x14: {  	s14 =	sadd.s32 $0x1, s9  }
0x15: {  	s12 =	sadd.s32 $0x1000, s10;
	s16 =	smov.u32 s10;
	p2 =	sgt.s32 s14, $0xC7  }
0x16: {  	s16 =	smov.u32 @p2 s12  }
0x17: {  	s14 =	simm.s32 @p2 $0x0;
	p2 =	sgt.s32 s16, $0xFFF  }
0x18: {  	s16 =	smov.u32 @p2 s2;
	p2 =	sne.s32 s11, s7  }
.Ltmp1:
0x19: {  	p1 =	slt.u32 s11, $0x2;
	(pc) =	sbr.rel @!p2 .LBB1_6-.Ltmp1, $4  }
0x1a: {  	s15 =	simm.s32 @!p1 $0x2  }
0x1b: {  	s13 =	smov.u32 s10;
	p0 =	por !p0, !p0;
	_ =	swait.ge @!p1 [sflag:s15], $0x2000  }
0x1c: {  	s12 =	smov.u32 s9;
	[sflag:s15] =	ssyncset.done @!p1 $0x0;
	s9 =	smov.u32 s14  }
0x1d: {  	s11 =	sadd.s32 $0x1, s11;
	[sflag:s15] =	ssyncadd.s32 @!p1 $0xFFFFE000;
	s10 =	smov.u32 s16  }
.LBB1_1:
0x1e: {  	p1 =	sge.u32 s11, s5  }
0x1f: {  	s14 =	sand.u32 @!p1 $0x1FFFFFF, s9  }
0x20: {  	s15 =	smulhi.u32 @!p1 $0x147AE15, s14;
	_ =	sdelay $0x1  }
0x21: {  	s15 =	smul.u32 @!p1 $0xC8, s15  }
0x22: {  	s16 =	sxor.u32 @!p1 $0xFFFFFFFF, s11;
	s17 =	smul.u32 @!p1 $0xC80, s10  }
0x23: {  	s31 =	sadd.s32 $0xFFFFFFFF, s11;
	s16 =	sshll.u32 @!p1 s16, $0xD;
	s14 =	ssub.s32 @!p1 s14, s15  }
0x24: {  	s15 =	sand.u32 @!p1 $0x2000, s16;
	s16 =	sadd.s32 @!p1 s6, s17;
	s14 =	sshll.u32 @!p1 s14, $0x4  }
0x25: {  	s17 =	simm.s32 @!p1 $0x6400;
	s14 =	sadd.s32 @!p1 s14, s16;
	s16 =	simm.s32 @!p1 $0x40  }
0x26: {  	[tilespmem:s15], [sflag:$0x1] =	stream.strided.gather @!p1 [hbm4b:s14+s16], $0x2000, s17, s16, $0x38;
	[tilespmem:$0x8080] =	vst v63  }
0x27: {  	p1 =	sge.u32 s31, s5  }
.Ltmp2:
0x28: {  	_ = 	snop;
	(pc) =	sbr.rel @p1 .LBB1_5-.Ltmp2, $1  }
0x29: {  	_ =	sdelay $0x3  }
0x2a: {  	s14 =	simm.s32 $0x1  }
0x2b: {  	_ =	swait.ge [sflag:s4], $0x2000;
	s14 =	simm.s32 @!p0 $0x0  }
0x2c: {  	[sflag:s4] =	ssyncset.done $0x0;
	s15 =	sshll.u32 s14, $0xD  }
0x2d: {  	[sflag:s4] =	ssyncadd.s32 $0xFFFFE000;
	s18 =	sor.u32 $0x20, s15  }
0x2e: {  	s14 =	smul.u32 $0x8100, s14;
	v3 =	vld [tilespmem:s18+$0x10]  }
0x2f: {  	s30 =	sand.u32 $0x1, s11;
	v2 =	vld [tilespmem:s18+$0xFFFFFFF0]  }
0x30: {  	s15 =	smul.u32 $0x8100, s30;
	s14 =	sshrl.u32 s14, $0x2;
	v0 =	vld [tilespmem:s18+$0x0]  }
0x31: {  	v1 =	vld [tilespmem:s18+$0xFFFFFFE0];
	s16 =	sor.u32 $0x4000, s14  }
0x32: {  	s31 =	sshrl.u32 s15, $0x2;
	s15 =	sadd.s32 $0x0, s16  }
0x33: {  	s17 =	simm.s32 $0x4;
	s18 =	sadd.s32 $0x40, s18;
	s14 =	sor.u32 $0x4000, s31;
	[tilespmem:s15+$0x1830 ss:$0x81] =	vst.msk $0xffff, v3  }
.LBB1_3:
0x34: {  	v3 =	vld [tilespmem:s18+$0x10];
	p1 =	sne.s32 s17, $0x1FC;
	[tilespmem:s15+$0x810 ss:$0x81] =	vst.msk $0xffff, v2;
	s19 =	smov.u32 s17;
	s17 =	sadd.s32 $0x4, s17  }
.Ltmp3:
0x35: {  	v2 =	vld [tilespmem:s18+$0xFFFFFFF0];
	[tilespmem:s15+$0x1020 ss:$0x81] =	vst.msk $0xffff, v0;
	(pc) =	sbr.rel @p1 .LBB1_3-.Ltmp3, $4  }
0x36: {  	v0 =	vld [tilespmem:s18+$0x0];
	[tilespmem:s15+$0x0 ss:$0x81] =	vst.msk $0xffff, v1  }
0x37: {  	s15 =	sshra.s32 s19, $0x2;
	v1 =	vld [tilespmem:s18+$0xFFFFFFE0]  }
0x38: {  	s15 =	sadd.s32 s15, s16  }
0x39: {  	s18 =	sadd.s32 $0x40, s18;
	[tilespmem:s15+$0x1830 ss:$0x81] =	vst.msk $0xffff, v3  }
.Ltmp4:
0x3a: {  	_ = 	snop;
	(pc) =	sbr.rel .LBB1_4-.Ltmp4, $1  }
0x3b: {  	_ =	sdelay $0x3  }
.LBB1_6:
0x3c: {  	_ =	sfence.sel $0x180000  }
0x3d: {  	s2 =	simm.s32 $0x1;
	[bflag:$0x0] =	sbarrier.arrive $0xFFFF  }
0x3e: {  	s31 =	simm.s32 $0x2;
	[sflag:s2] =	ssyncpa.u1 $0x1  }
0x3f: {  	[sflag:s31] =	ssyncpa.u1 $0x1  }
0x40: {  	p0 =	sne.s32 s0, $0x0;
	_ =	strace $0x9000004A  }
0x41: {  	s0 =	sadd.s32 @!p0 $0x100000, s1;
	[bflag:$0x2] =	sbarrier.arrive $0xFFFF  }
0x42: {  	[sflag:s0] =	ssyncadd.tile.s32 @!p0 $0x1;
	_ =	shalt  }
.Lfunc_end1:
_tile_overlayer_lowered:
.L_overlay_start_2:
0x43: {  	(tag) =	ssettag $0x2  }
0x44: {  	s0 =	rddreg [dreg:$0x0];
	s2 =	stileid.u32  }
0x45: {  	s1 =	rddreg [dreg:$0x1];
	p0 =	sne.s32 s2, $0x0  }
0x46: {  	s3 =	rddreg [dreg:$0x2];
	[bflag:$0x3] =	sbarrier.arrive $0xFFFF;
	s2 =	simm.s32 @!p0 $0x1C01  }
0x47: {  	[timem:s3], [sflag:s2] =	dma.local @!p0 [hbm:s0], s1  }
0x48: {  	s0 =	simm.s32 @!p0 $0x1  }
0x49: {  	_ =	swait.ge @!p0 [sflag:s0], s1  }
0x4a: {  	s1 =	ssub.s32 @!p0 $0x0, s1;
	[sflag:s0] =	ssyncset.done @!p0 $0x0  }
0x4b: {  	[sflag:s0] =	ssyncadd.s32 @!p0 s1  }
0x4c: {  	[bflag:$0x3] =	sbarrier.arrive $0xFFFF  }
0x4d: {  	_ =	shalt  }

</sc_bundles>
